<compile_context>
chip_gen: v7x
topology: tpu7x:2x2x1
jax: 0.10.2.dev20260603
libtpu: 0.0.44.dev20260713+nightly
codegen_flags: <defaults>
</compile_context>

<pallas_src>
import functools

import jax
import jax.numpy as jnp
from jax import lax
from jax.experimental import pallas as pl
from jax.experimental.pallas import tpu as pltpu
from jax.experimental.pallas import tpu_sc as plsc

N = 10000
M = 160000
R = 64
D = 128
BS = 128

NB = 1024
EB = 16384
CHUNK = 8000
NCHUNK = M // CHUNK
NPAIR = NCHUNK // 2
NTILE = 32
COLS_PER_TILE = BS // NTILE


def _tc_body(emb_ref, ae_ref, rmask_ref, h_ref, dis_ref, w_ref):
    dis_ref[...] = jnp.tanh(lax.dot_general(
        emb_ref[...], ae_ref[...],
        dimension_numbers=(((1,), (1,)), ((), ())),
        preferred_element_type=jnp.float32))
    rv = lax.broadcasted_iota(jnp.int32, (R, 1), 0).astype(jnp.float32) * 65536.0
    s = jnp.sum(rmask_ref[...] * rv, axis=0)
    w_ref[...] = s.astype(jnp.int32) + h_ref[...]


def _sc_edge_body(disT, w_hbm, t_hbm, perm_hbm, qrel_hbm, out_hbm,
                  perm_v, qrel_v, jtab, dis_cols, acc,
                  w_bufa, t_bufa, w_bufb, t_bufb, sema, semb):
    wid = lax.axis_index("s") * 2 + lax.axis_index("c")
    row0 = wid * COLS_PER_TILE

    pltpu.sync_copy(perm_hbm, perm_v)
    pltpu.sync_copy(qrel_hbm, qrel_v)
    for j in range(COLS_PER_TILE):
        pltpu.sync_copy(disT.at[row0 + j], dis_cols.at[j])

    zero16 = jnp.zeros((16,), jnp.float32)

    def zero_body(i, carry):
        for j in range(COLS_PER_TILE):
            acc[j, pl.ds(i * 16, 16)] = zero16
        return carry

    lax.fori_loop(0, N // 16, zero_body, 0)

    widv = jnp.full((16,), wid, jnp.int32)
    rel_vecs = [plsc.load_gather(qrel_v, [widv, jnp.full((16,), j, jnp.int32)])
                for j in range(COLS_PER_TILE)]
    cidx = [jnp.full((16,), j, jnp.int32) for j in range(COLS_PER_TILE)]
    z16 = jnp.zeros((16,), jnp.int32)
    miss16 = jnp.full((16,), COLS_PER_TILE, jnp.int32)
    lane0 = lax.broadcasted_iota(jnp.int32, (16,), 0) == z16

    for i in range(R // 16):
        jtab[0, pl.ds(i * 16, 16)] = miss16
    for j in range(COLS_PER_TILE):
        plsc.store_scatter(jtab, [z16, rel_vecs[j]], cidx[j], mask=lane0)

    dup = jnp.zeros((16,), jnp.int32)
    for a in range(COLS_PER_TILE):
        for b in range(a + 1, COLS_PER_TILE):
            dup = dup + (rel_vecs[a] == rel_vecs[b]).astype(jnp.int32)
    has_dup = jnp.sum(dup, axis=0) > 0

    def start_chunk(k, w_dst, t_dst, sem):
        cg = lax.rem(k + 2 * wid, NCHUNK)
        base = cg * CHUNK
        pltpu.async_copy(w_hbm.at[pl.ds(base, CHUNK)], w_dst, sem)
        pltpu.async_copy(t_hbm.at[pl.ds(base, CHUNK)], t_dst, sem)

    def wait_chunk(w_dst, t_dst, sem):
        pltpu.make_async_copy(w_hbm.at[pl.ds(0, CHUNK)], w_dst, sem).wait()
        pltpu.make_async_copy(t_hbm.at[pl.ds(0, CHUNK)], t_dst, sem).wait()

    def process_fast(w_src, t_src):
        @plsc.parallel_loop(0, CHUNK // 16, unroll=8)
        def iter_body(i):
            w_vec = w_src[pl.ds(i * 16, 16)]
            t_vec = t_src[pl.ds(i * 16, 16)]
            r_vec = lax.shift_right_logical(w_vec, 16)
            h_vec = lax.bitwise_and(w_vec, 0xFFFF)
            jsel = plsc.load_gather(jtab, [z16, r_vec])
            m = jsel != miss16
            val = plsc.load_gather(dis_cols, [jsel, h_vec], mask=m)
            plsc.addupdate_scatter(acc, [jsel, t_vec], val, mask=m)

    def process_slow(w_src, t_src):
        @plsc.parallel_loop(0, CHUNK // 16, unroll=4)
        def iter_body(i):
            w_vec = w_src[pl.ds(i * 16, 16)]
            t_vec = t_src[pl.ds(i * 16, 16)]
            r_vec = lax.shift_right_logical(w_vec, 16)
            h_vec = lax.bitwise_and(w_vec, 0xFFFF)
            for j in range(COLS_PER_TILE):
                m = r_vec == rel_vecs[j]
                val = plsc.load_gather(dis_cols, [cidx[j], h_vec])
                plsc.addupdate_scatter(acc, [cidx[j], t_vec], val, mask=m)

    start_chunk(0, w_bufa, t_bufa, sema)
    start_chunk(1, w_bufb, t_bufb, semb)

    def make_pair_body(process):
        def pair_body(u, carry):
            wait_chunk(w_bufa, t_bufa, sema)
            process(w_bufa, t_bufa)

            @pl.when(u < NPAIR - 1)
            def _():
                start_chunk(2 * u + 2, w_bufa, t_bufa, sema)

            wait_chunk(w_bufb, t_bufb, semb)
            process(w_bufb, t_bufb)

            @pl.when(u < NPAIR - 1)
            def _():
                start_chunk(2 * u + 3, w_bufb, t_bufb, semb)

            return carry
        return pair_body

    @pl.when(jnp.logical_not(has_dup))
    def _():
        lax.fori_loop(0, NPAIR, make_pair_body(process_fast), 0)

    @pl.when(has_dup)
    def _():
        lax.fori_loop(0, NPAIR, make_pair_body(process_slow), 0)

    pltpu.async_copy(acc, out_hbm.at[perm_v.at[wid]], sema).wait()


_sc_edge_kernel = functools.partial(
    pl.kernel,
    out_type=jax.ShapeDtypeStruct((BS, N), jnp.float32),
    mesh=plsc.VectorSubcoreMesh(core_axis_name="c", subcore_axis_name="s"),
    compiler_params=pltpu.CompilerParams(needs_layout_passes=False,
                                         use_tc_tiling_on_sc=False),
    scratch_types=[
        pltpu.VMEM((NTILE, COLS_PER_TILE), jnp.int32),
        pltpu.VMEM((NTILE, COLS_PER_TILE), jnp.int32),
        pltpu.VMEM((1, R), jnp.int32),
        pltpu.VMEM((COLS_PER_TILE, N), jnp.float32),
        pltpu.VMEM((COLS_PER_TILE, N), jnp.float32),
        pltpu.VMEM((CHUNK,), jnp.int32),
        pltpu.VMEM((CHUNK,), jnp.int32),
        pltpu.VMEM((CHUNK,), jnp.int32),
        pltpu.VMEM((CHUNK,), jnp.int32),
        pltpu.SemaphoreType.DMA,
        pltpu.SemaphoreType.DMA,
    ],
)(_sc_edge_body)


def kernel(emb, all_emb, r_mask, node_src, edge_dst, relation_ids):
    node_src = node_src.astype(jnp.int32)
    edge_dst = edge_dst.astype(jnp.int32)
    relation_ids = relation_ids.astype(jnp.int32)

    order = jnp.argsort(relation_ids).astype(jnp.int32)
    rowperm = order.reshape(COLS_PER_TILE, NTILE).T.reshape(BS)
    perm = rowperm.reshape(NTILE, COLS_PER_TILE)
    qrel = jnp.take(relation_ids, perm, axis=0)
    emb = jnp.take(emb, rowperm, axis=0)

    disT, w = pl.pallas_call(
        _tc_body,
        grid=(pl.cdiv(M, EB),),
        in_specs=[
            pl.BlockSpec((BS, D), lambda i: (0, 0)),
            pl.BlockSpec((NB, D), lambda i: (i, 0)),
            pl.BlockSpec((R, EB), lambda i: (0, i)),
            pl.BlockSpec((EB,), lambda i: (i,)),
        ],
        out_specs=[
            pl.BlockSpec((BS, NB), lambda i: (0, i)),
            pl.BlockSpec((EB,), lambda i: (i,)),
        ],
        out_shape=[
            jax.ShapeDtypeStruct((BS, N), jnp.float32),
            jax.ShapeDtypeStruct((M,), jnp.int32),
        ],
    )(emb, all_emb, r_mask, node_src)

    return _sc_edge_kernel(disT, w, edge_dst, perm, qrel)

# --- scband reference (transcript-rebuilt; emitter-appended) ---
"""Pipeline reference for scband-ible-12833362280950 (READ-ONLY COPY).

The authoritative reference and input builder live on the scoring server;
editing this copy changes nothing except your own understanding.
"""

import jax, jax.numpy as jnp
import numpy as np

N = 10000   # nentity
M = 160000  # n_edges
R = 64      # nrelation
D = 128     # entity_dim
BS = 128    # batch of queries


def setup_inputs(seed: int = 0) -> dict:
    key = jax.random.key(seed)
    k1, k2, k3, k4, k5, k6 = jax.random.split(key, 6)
    # edges (h, r, t): h/t are node ids, r relation ids
    h = jax.random.randint(k1, (M,), 0, N)
    t = jax.random.randint(k2, (M,), 0, N)
    r = jax.random.randint(k3, (M,), 0, R)
    # dense relation mask r_mask1[r_i, i] = 1 as built in __init__
    r_mask = jnp.zeros((R, M), dtype=jnp.float32).at[r, jnp.arange(M)].set(1.0)
    emb = jax.random.normal(k4, (BS, D), dtype=jnp.float32)
    all_emb = jax.random.normal(k5, (N, D), dtype=jnp.float32)
    relation_ids = jax.random.randint(k6, (BS,), 0, R)
    return {
        "emb": emb,
        "all_emb": all_emb,
        "r_mask": r_mask,
        "node_src": h,   # node_edge1 row 0 (head node per edge); row 1 is arange(M)
        "edge_dst": t,   # edge_node1 row 1 (tail node per edge); row 0 is arange(M)
        "relation_ids": relation_ids,
    }


def reference(emb, all_emb, r_mask, node_src, edge_dst, relation_ids):
    # mode='tail-batch', relation_aware=None, cosine=True, activation='tanh',
    # pooling='add', mlp=False
    n = all_emb.shape[0]
    m = node_src.shape[0]
    # dis = tanh(emb @ all_emb^T)^T  -> [N, BS]
    dis = jnp.tanh(jnp.matmul(emb, all_emb.T)).T
    # aggregator1 (add): gather dis at head node per edge, scatter-add into edge slots
    gathered = jnp.take(dis, node_src, axis=0)                      # [M, BS]
    edge_score = jnp.zeros((m, dis.shape[1]), dis.dtype).at[jnp.arange(m)].add(gathered)
    # mask edges by query relation: index_select(r_mask, relation_ids).T -> [M, BS]
    edge_score = edge_score * jnp.take(r_mask, relation_ids, axis=0).T
    # aggregator2 (pooling='add'): scatter-add edge scores into tail nodes
    target_score = jax.ops.segment_sum(edge_score, edge_dst, num_segments=n)  # [N, BS]
    return target_score.T                                            # [BS, N]

if __name__ == "__main__":
    import jax
    _d = setup_inputs()
    print(jax.jit(kernel)(*tuple(_d.values())))

</pallas_src>

<mosaic_0001>
#map = affine_map<(d0, d1) -> (0, 0)>
#map1 = affine_map<(d0, d1) -> (0)>
module attributes {stable_mosaic.version = 14 : i64} {
  func.func @_sc_edge_body(%arg0: i32, %arg1: i32, %arg2: memref<128x10000xf32, #tpu.memory_space<hbm>>, %arg3: memref<160000xi32, #tpu.memory_space<hbm>>, %arg4: memref<160000xi32, #tpu.memory_space<hbm>>, %arg5: memref<32x4xi32, #tpu.memory_space<hbm>>, %arg6: memref<32x4xi32, #tpu.memory_space<hbm>>, %arg7: memref<128x10000xf32, #tpu.memory_space<hbm>>, %arg8: memref<32x4xi32, #tpu.memory_space<vmem>>, %arg9: memref<32x4xi32, #tpu.memory_space<vmem>>, %arg10: memref<1x64xi32, #tpu.memory_space<vmem>>, %arg11: memref<4x10000xf32, #tpu.memory_space<vmem>>, %arg12: memref<4x10000xf32, #tpu.memory_space<vmem>>, %arg13: memref<8000xi32, #tpu.memory_space<vmem>>, %arg14: memref<8000xi32, #tpu.memory_space<vmem>>, %arg15: memref<8000xi32, #tpu.memory_space<vmem>>, %arg16: memref<8000xi32, #tpu.memory_space<vmem>>, %arg17: memref<!tpu.dma_semaphore, #tpu.memory_space<semaphore_mem>>, %arg18: memref<!tpu.dma_semaphore, #tpu.memory_space<semaphore_mem>>) attributes {dimension_semantics = [#tpu.dimension_semantics<core_parallel>, #tpu.dimension_semantics<subcore_parallel>], iteration_bounds = array<i64: 2, 16>, scalar_prefetch = 0 : i64, scratch_operands = 11 : i64, tpu.core_type = #tpu.core_type<sc_vector_subcore>, window_params = [{transform_indices = #map}, {transform_indices = #map1}, {transform_indices = #map1}, {transform_indices = #map}, {transform_indices = #map}, {transform_indices = #map}]} {
    %mul3A = arith.constant 2 : i32
    %mul3A_0 = arith.muli %arg1, %mul3A : i32
    %add3A = arith.addi %mul3A_0, %arg0 : i32
    %mul3A_1 = arith.constant 4 : i32
    %mul3A_2 = arith.muli %add3A, %mul3A_1 : i32
    "tpu.region"() ({
      %run_scoped3A_121 = tpu.sem_alloc : memref<!tpu.dma_semaphore, #tpu.memory_space<semaphore_mem>>
      tpu.enqueue_dma source(%arg5 : memref<32x4xi32, #tpu.memory_space<hbm>>) target(%arg8 : memref<32x4xi32, #tpu.memory_space<vmem>>) target_semaphore(%run_scoped3A_121 : memref<!tpu.dma_semaphore, #tpu.memory_space<semaphore_mem>>)
      tpu.wait_dma2 semaphore(%run_scoped3A_121 : memref<!tpu.dma_semaphore, #tpu.memory_space<semaphore_mem>>) src(%arg5 : memref<32x4xi32, #tpu.memory_space<hbm>>) dst(%arg8 : memref<32x4xi32, #tpu.memory_space<vmem>>)
      tpu.yield
    }) : () -> ()
    "tpu.region"() ({
      %run_scoped3A_121 = tpu.sem_alloc : memref<!tpu.dma_semaphore, #tpu.memory_space<semaphore_mem>>
      tpu.enqueue_dma source(%arg6 : memref<32x4xi32, #tpu.memory_space<hbm>>) target(%arg9 : memref<32x4xi32, #tpu.memory_space<vmem>>) target_semaphore(%run_scoped3A_121 : memref<!tpu.dma_semaphore, #tpu.memory_space<semaphore_mem>>)
      tpu.wait_dma2 semaphore(%run_scoped3A_121 : memref<!tpu.dma_semaphore, #tpu.memory_space<semaphore_mem>>) src(%arg6 : memref<32x4xi32, #tpu.memory_space<hbm>>) dst(%arg9 : memref<32x4xi32, #tpu.memory_space<vmem>>)
      tpu.yield
    }) : () -> ()
    %add3A_3 = arith.constant 0 : i32
    %add3A_4 = arith.addi %mul3A_2, %add3A_3 : i32
    %run_scoped3A = arith.constant 0 : i32
    "tpu.region"() ({
      %run_scoped3A_121 = tpu.sem_alloc : memref<!tpu.dma_semaphore, #tpu.memory_space<semaphore_mem>>
      %dma_start3A_122 = arith.constant 0 : i32
      %dma_start3A_123 = tpu.memref_slice %arg11[%run_scoped3A, %dma_start3A_122] : memref<4x10000xf32, #tpu.memory_space<vmem>> -> memref<1x10000xf32, #tpu.memory_space<vmem>>
      %dma_start3A_124 = tpu.memref_squeeze %dma_start3A_123 : memref<1x10000xf32, #tpu.memory_space<vmem>> -> memref<10000xf32, #tpu.memory_space<vmem>>
      %dma_start3A_125 = arith.constant 0 : i32
      %dma_start3A_126 = tpu.memref_slice %arg2[%add3A_4, %dma_start3A_125] : memref<128x10000xf32, #tpu.memory_space<hbm>> -> memref<1x10000xf32, #tpu.memory_space<hbm>>
      %dma_start3A_127 = tpu.memref_squeeze %dma_start3A_126 : memref<1x10000xf32, #tpu.memory_space<hbm>> -> memref<10000xf32, #tpu.memory_space<hbm>>
      %dma_start3A_128 = arith.constant 0 : i32
      %dma_start3A_129 = tpu.memref_slice %arg11[%run_scoped3A, %dma_start3A_128] : memref<4x10000xf32, #tpu.memory_space<vmem>> -> memref<1x10000xf32, #tpu.memory_space<vmem>>
      %dma_start3A_130 = tpu.memref_squeeze %dma_start3A_129 : memref<1x10000xf32, #tpu.memory_space<vmem>> -> memref<10000xf32, #tpu.memory_space<vmem>>
      %dma_start3A_131 = arith.constant 0 : i32
      %dma_start3A_132 = tpu.memref_slice %arg2[%add3A_4, %dma_start3A_131] : memref<128x10000xf32, #tpu.memory_space<hbm>> -> memref<1x10000xf32, #tpu.memory_space<hbm>>
      %dma_start3A_133 = tpu.memref_squeeze %dma_start3A_132 : memref<1x10000xf32, #tpu.memory_space<hbm>> -> memref<10000xf32, #tpu.memory_space<hbm>>
      tpu.enqueue_dma source(%dma_start3A_133 : memref<10000xf32, #tpu.memory_space<hbm>>) target(%dma_start3A_130 : memref<10000xf32, #tpu.memory_space<vmem>>) target_semaphore(%run_scoped3A_121 : memref<!tpu.dma_semaphore, #tpu.memory_space<semaphore_mem>>)
      %dma_wait3A_134 = arith.constant 0 : i32
      %dma_wait3A_135 = tpu.memref_slice %arg11[%run_scoped3A, %dma_wait3A_134] : memref<4x10000xf32, #tpu.memory_space<vmem>> -> memref<1x10000xf32, #tpu.memory_space<vmem>>
      %dma_wait3A_136 = tpu.memref_squeeze %dma_wait3A_135 : memref<1x10000xf32, #tpu.memory_space<vmem>> -> memref<10000xf32, #tpu.memory_space<vmem>>
      %dma_wait3A_137 = arith.constant 0 : i32
      %dma_wait3A_138 = tpu.memref_slice %arg2[%add3A_4, %dma_wait3A_137] : memref<128x10000xf32, #tpu.memory_space<hbm>> -> memref<1x10000xf32, #tpu.memory_space<hbm>>
      %dma_wait3A_139 = tpu.memref_squeeze %dma_wait3A_138 : memref<1x10000xf32, #tpu.memory_space<hbm>> -> memref<10000xf32, #tpu.memory_space<hbm>>
      %dma_wait3A_140 = arith.constant 0 : i32
      %dma_wait3A_141 = tpu.memref_slice %arg11[%run_scoped3A, %dma_wait3A_140] : memref<4x10000xf32, #tpu.memory_space<vmem>> -> memref<1x10000xf32, #tpu.memory_space<vmem>>
      %dma_wait3A_142 = tpu.memref_squeeze %dma_wait3A_141 : memref<1x10000xf32, #tpu.memory_space<vmem>> -> memref<10000xf32, #tpu.memory_space<vmem>>
      %dma_wait3A_143 = arith.constant 0 : i32
      %dma_wait3A_144 = tpu.memref_slice %arg2[%add3A_4, %dma_wait3A_143] : memref<128x10000xf32, #tpu.memory_space<hbm>> -> memref<1x10000xf32, #tpu.memory_space<hbm>>
      %dma_wait3A_145 = tpu.memref_squeeze %dma_wait3A_144 : memref<1x10000xf32, #tpu.memory_space<hbm>> -> memref<10000xf32, #tpu.memory_space<hbm>>
      tpu.wait_dma2 semaphore(%run_scoped3A_121 : memref<!tpu.dma_semaphore, #tpu.memory_space<semaphore_mem>>) src(%dma_wait3A_145 : memref<10000xf32, #tpu.memory_space<hbm>>) dst(%dma_wait3A_142 : memref<10000xf32, #tpu.memory_space<vmem>>)
      tpu.yield
    }) : () -> ()
    %add3A_5 = arith.constant 1 : i32
    %add3A_6 = arith.addi %mul3A_2, %add3A_5 : i32
    %run_scoped3A_7 = arith.constant 1 : i32
    "tpu.region"() ({
      %run_scoped3A_121 = tpu.sem_alloc : memref<!tpu.dma_semaphore, #tpu.memory_space<semaphore_mem>>
      %dma_start3A_122 = arith.constant 0 : i32
      %dma_start3A_123 = tpu.memref_slice %arg11[%run_scoped3A_7, %dma_start3A_122] : memref<4x10000xf32, #tpu.memory_space<vmem>> -> memref<1x10000xf32, #tpu.memory_space<vmem>>
      %dma_start3A_124 = tpu.memref_squeeze %dma_start3A_123 : memref<1x10000xf32, #tpu.memory_space<vmem>> -> memref<10000xf32, #tpu.memory_space<vmem>>
      %dma_start3A_125 = arith.constant 0 : i32
      %dma_start3A_126 = tpu.memref_slice %arg2[%add3A_6, %dma_start3A_125] : memref<128x10000xf32, #tpu.memory_space<hbm>> -> memref<1x10000xf32, #tpu.memory_space<hbm>>
      %dma_start3A_127 = tpu.memref_squeeze %dma_start3A_126 : memref<1x10000xf32, #tpu.memory_space<hbm>> -> memref<10000xf32, #tpu.memory_space<hbm>>
      %dma_start3A_128 = arith.constant 0 : i32
      %dma_start3A_129 = tpu.memref_slice %arg11[%run_scoped3A_7, %dma_start3A_128] : memref<4x10000xf32, #tpu.memory_space<vmem>> -> memref<1x10000xf32, #tpu.memory_space<vmem>>
      %dma_start3A_130 = tpu.memref_squeeze %dma_start3A_129 : memref<1x10000xf32, #tpu.memory_space<vmem>> -> memref<10000xf32, #tpu.memory_space<vmem>>
      %dma_start3A_131 = arith.constant 0 : i32
      %dma_start3A_132 = tpu.memref_slice %arg2[%add3A_6, %dma_start3A_131] : memref<128x10000xf32, #tpu.memory_space<hbm>> -> memref<1x10000xf32, #tpu.memory_space<hbm>>
      %dma_start3A_133 = tpu.memref_squeeze %dma_start3A_132 : memref<1x10000xf32, #tpu.memory_space<hbm>> -> memref<10000xf32, #tpu.memory_space<hbm>>
      tpu.enqueue_dma source(%dma_start3A_133 : memref<10000xf32, #tpu.memory_space<hbm>>) target(%dma_start3A_130 : memref<10000xf32, #tpu.memory_space<vmem>>) target_semaphore(%run_scoped3A_121 : memref<!tpu.dma_semaphore, #tpu.memory_space<semaphore_mem>>)
      %dma_wait3A_134 = arith.constant 0 : i32
      %dma_wait3A_135 = tpu.memref_slice %arg11[%run_scoped3A_7, %dma_wait3A_134] : memref<4x10000xf32, #tpu.memory_space<vmem>> -> memref<1x10000xf32, #tpu.memory_space<vmem>>
      %dma_wait3A_136 = tpu.memref_squeeze %dma_wait3A_135 : memref<1x10000xf32, #tpu.memory_space<vmem>> -> memref<10000xf32, #tpu.memory_space<vmem>>
      %dma_wait3A_137 = arith.constant 0 : i32
      %dma_wait3A_138 = tpu.memref_slice %arg2[%add3A_6, %dma_wait3A_137] : memref<128x10000xf32, #tpu.memory_space<hbm>> -> memref<1x10000xf32, #tpu.memory_space<hbm>>
      %dma_wait3A_139 = tpu.memref_squeeze %dma_wait3A_138 : memref<1x10000xf32, #tpu.memory_space<hbm>> -> memref<10000xf32, #tpu.memory_space<hbm>>
      %dma_wait3A_140 = arith.constant 0 : i32
      %dma_wait3A_141 = tpu.memref_slice %arg11[%run_scoped3A_7, %dma_wait3A_140] : memref<4x10000xf32, #tpu.memory_space<vmem>> -> memref<1x10000xf32, #tpu.memory_space<vmem>>
      %dma_wait3A_142 = tpu.memref_squeeze %dma_wait3A_141 : memref<1x10000xf32, #tpu.memory_space<vmem>> -> memref<10000xf32, #tpu.memory_space<vmem>>
      %dma_wait3A_143 = arith.constant 0 : i32
      %dma_wait3A_144 = tpu.memref_slice %arg2[%add3A_6, %dma_wait3A_143] : memref<128x10000xf32, #tpu.memory_space<hbm>> -> memref<1x10000xf32, #tpu.memory_space<hbm>>
      %dma_wait3A_145 = tpu.memref_squeeze %dma_wait3A_144 : memref<1x10000xf32, #tpu.memory_space<hbm>> -> memref<10000xf32, #tpu.memory_space<hbm>>
      tpu.wait_dma2 semaphore(%run_scoped3A_121 : memref<!tpu.dma_semaphore, #tpu.memory_space<semaphore_mem>>) src(%dma_wait3A_145 : memref<10000xf32, #tpu.memory_space<hbm>>) dst(%dma_wait3A_142 : memref<10000xf32, #tpu.memory_space<vmem>>)
      tpu.yield
    }) : () -> ()
    %add3A_8 = arith.constant 2 : i32
    %add3A_9 = arith.addi %mul3A_2, %add3A_8 : i32
    %run_scoped3A_10 = arith.constant 2 : i32
    "tpu.region"() ({
      %run_scoped3A_121 = tpu.sem_alloc : memref<!tpu.dma_semaphore, #tpu.memory_space<semaphore_mem>>
      %dma_start3A_122 = arith.constant 0 : i32
      %dma_start3A_123 = tpu.memref_slice %arg11[%run_scoped3A_10, %dma_start3A_122] : memref<4x10000xf32, #tpu.memory_space<vmem>> -> memref<1x10000xf32, #tpu.memory_space<vmem>>
      %dma_start3A_124 = tpu.memref_squeeze %dma_start3A_123 : memref<1x10000xf32, #tpu.memory_space<vmem>> -> memref<10000xf32, #tpu.memory_space<vmem>>
      %dma_start3A_125 = arith.constant 0 : i32
      %dma_start3A_126 = tpu.memref_slice %arg2[%add3A_9, %dma_start3A_125] : memref<128x10000xf32, #tpu.memory_space<hbm>> -> memref<1x10000xf32, #tpu.memory_space<hbm>>
      %dma_start3A_127 = tpu.memref_squeeze %dma_start3A_126 : memref<1x10000xf32, #tpu.memory_space<hbm>> -> memref<10000xf32, #tpu.memory_space<hbm>>
      %dma_start3A_128 = arith.constant 0 : i32
      %dma_start3A_129 = tpu.memref_slice %arg11[%run_scoped3A_10, %dma_start3A_128] : memref<4x10000xf32, #tpu.memory_space<vmem>> -> memref<1x10000xf32, #tpu.memory_space<vmem>>
      %dma_start3A_130 = tpu.memref_squeeze %dma_start3A_129 : memref<1x10000xf32, #tpu.memory_space<vmem>> -> memref<10000xf32, #tpu.memory_space<vmem>>
      %dma_start3A_131 = arith.constant 0 : i32
      %dma_start3A_132 = tpu.memref_slice %arg2[%add3A_9, %dma_start3A_131] : memref<128x10000xf32, #tpu.memory_space<hbm>> -> memref<1x10000xf32, #tpu.memory_space<hbm>>
      %dma_start3A_133 = tpu.memref_squeeze %dma_start3A_132 : memref<1x10000xf32, #tpu.memory_space<hbm>> -> memref<10000xf32, #tpu.memory_space<hbm>>
      tpu.enqueue_dma source(%dma_start3A_133 : memref<10000xf32, #tpu.memory_space<hbm>>) target(%dma_start3A_130 : memref<10000xf32, #tpu.memory_space<vmem>>) target_semaphore(%run_scoped3A_121 : memref<!tpu.dma_semaphore, #tpu.memory_space<semaphore_mem>>)
      %dma_wait3A_134 = arith.constant 0 : i32
      %dma_wait3A_135 = tpu.memref_slice %arg11[%run_scoped3A_10, %dma_wait3A_134] : memref<4x10000xf32, #tpu.memory_space<vmem>> -> memref<1x10000xf32, #tpu.memory_space<vmem>>
      %dma_wait3A_136 = tpu.memref_squeeze %dma_wait3A_135 : memref<1x10000xf32, #tpu.memory_space<vmem>> -> memref<10000xf32, #tpu.memory_space<vmem>>
      %dma_wait3A_137 = arith.constant 0 : i32
      %dma_wait3A_138 = tpu.memref_slice %arg2[%add3A_9, %dma_wait3A_137] : memref<128x10000xf32, #tpu.memory_space<hbm>> -> memref<1x10000xf32, #tpu.memory_space<hbm>>
      %dma_wait3A_139 = tpu.memref_squeeze %dma_wait3A_138 : memref<1x10000xf32, #tpu.memory_space<hbm>> -> memref<10000xf32, #tpu.memory_space<hbm>>
      %dma_wait3A_140 = arith.constant 0 : i32
      %dma_wait3A_141 = tpu.memref_slice %arg11[%run_scoped3A_10, %dma_wait3A_140] : memref<4x10000xf32, #tpu.memory_space<vmem>> -> memref<1x10000xf32, #tpu.memory_space<vmem>>
      %dma_wait3A_142 = tpu.memref_squeeze %dma_wait3A_141 : memref<1x10000xf32, #tpu.memory_space<vmem>> -> memref<10000xf32, #tpu.memory_space<vmem>>
      %dma_wait3A_143 = arith.constant 0 : i32
      %dma_wait3A_144 = tpu.memref_slice %arg2[%add3A_9, %dma_wait3A_143] : memref<128x10000xf32, #tpu.memory_space<hbm>> -> memref<1x10000xf32, #tpu.memory_space<hbm>>
      %dma_wait3A_145 = tpu.memref_squeeze %dma_wait3A_144 : memref<1x10000xf32, #tpu.memory_space<hbm>> -> memref<10000xf32, #tpu.memory_space<hbm>>
      tpu.wait_dma2 semaphore(%run_scoped3A_121 : memref<!tpu.dma_semaphore, #tpu.memory_space<semaphore_mem>>) src(%dma_wait3A_145 : memref<10000xf32, #tpu.memory_space<hbm>>) dst(%dma_wait3A_142 : memref<10000xf32, #tpu.memory_space<vmem>>)
      tpu.yield
    }) : () -> ()
    %add3A_11 = arith.constant 3 : i32
    %add3A_12 = arith.addi %mul3A_2, %add3A_11 : i32
    %run_scoped3A_13 = arith.constant 3 : i32
    "tpu.region"() ({
      %run_scoped3A_121 = tpu.sem_alloc : memref<!tpu.dma_semaphore, #tpu.memory_space<semaphore_mem>>
      %dma_start3A_122 = arith.constant 0 : i32
      %dma_start3A_123 = tpu.memref_slice %arg11[%run_scoped3A_13, %dma_start3A_122] : memref<4x10000xf32, #tpu.memory_space<vmem>> -> memref<1x10000xf32, #tpu.memory_space<vmem>>
      %dma_start3A_124 = tpu.memref_squeeze %dma_start3A_123 : memref<1x10000xf32, #tpu.memory_space<vmem>> -> memref<10000xf32, #tpu.memory_space<vmem>>
      %dma_start3A_125 = arith.constant 0 : i32
      %dma_start3A_126 = tpu.memref_slice %arg2[%add3A_12, %dma_start3A_125] : memref<128x10000xf32, #tpu.memory_space<hbm>> -> memref<1x10000xf32, #tpu.memory_space<hbm>>
      %dma_start3A_127 = tpu.memref_squeeze %dma_start3A_126 : memref<1x10000xf32, #tpu.memory_space<hbm>> -> memref<10000xf32, #tpu.memory_space<hbm>>
      %dma_start3A_128 = arith.constant 0 : i32
      %dma_start3A_129 = tpu.memref_slice %arg11[%run_scoped3A_13, %dma_start3A_128] : memref<4x10000xf32, #tpu.memory_space<vmem>> -> memref<1x10000xf32, #tpu.memory_space<vmem>>
      %dma_start3A_130 = tpu.memref_squeeze %dma_start3A_129 : memref<1x10000xf32, #tpu.memory_space<vmem>> -> memref<10000xf32, #tpu.memory_space<vmem>>
      %dma_start3A_131 = arith.constant 0 : i32
      %dma_start3A_132 = tpu.memref_slice %arg2[%add3A_12, %dma_start3A_131] : memref<128x10000xf32, #tpu.memory_space<hbm>> -> memref<1x10000xf32, #tpu.memory_space<hbm>>
      %dma_start3A_133 = tpu.memref_squeeze %dma_start3A_132 : memref<1x10000xf32, #tpu.memory_space<hbm>> -> memref<10000xf32, #tpu.memory_space<hbm>>
      tpu.enqueue_dma source(%dma_start3A_133 : memref<10000xf32, #tpu.memory_space<hbm>>) target(%dma_start3A_130 : memref<10000xf32, #tpu.memory_space<vmem>>) target_semaphore(%run_scoped3A_121 : memref<!tpu.dma_semaphore, #tpu.memory_space<semaphore_mem>>)
      %dma_wait3A_134 = arith.constant 0 : i32
      %dma_wait3A_135 = tpu.memref_slice %arg11[%run_scoped3A_13, %dma_wait3A_134] : memref<4x10000xf32, #tpu.memory_space<vmem>> -> memref<1x10000xf32, #tpu.memory_space<vmem>>
      %dma_wait3A_136 = tpu.memref_squeeze %dma_wait3A_135 : memref<1x10000xf32, #tpu.memory_space<vmem>> -> memref<10000xf32, #tpu.memory_space<vmem>>
      %dma_wait3A_137 = arith.constant 0 : i32
      %dma_wait3A_138 = tpu.memref_slice %arg2[%add3A_12, %dma_wait3A_137] : memref<128x10000xf32, #tpu.memory_space<hbm>> -> memref<1x10000xf32, #tpu.memory_space<hbm>>
      %dma_wait3A_139 = tpu.memref_squeeze %dma_wait3A_138 : memref<1x10000xf32, #tpu.memory_space<hbm>> -> memref<10000xf32, #tpu.memory_space<hbm>>
      %dma_wait3A_140 = arith.constant 0 : i32
      %dma_wait3A_141 = tpu.memref_slice %arg11[%run_scoped3A_13, %dma_wait3A_140] : memref<4x10000xf32, #tpu.memory_space<vmem>> -> memref<1x10000xf32, #tpu.memory_space<vmem>>
      %dma_wait3A_142 = tpu.memref_squeeze %dma_wait3A_141 : memref<1x10000xf32, #tpu.memory_space<vmem>> -> memref<10000xf32, #tpu.memory_space<vmem>>
      %dma_wait3A_143 = arith.constant 0 : i32
      %dma_wait3A_144 = tpu.memref_slice %arg2[%add3A_12, %dma_wait3A_143] : memref<128x10000xf32, #tpu.memory_space<hbm>> -> memref<1x10000xf32, #tpu.memory_space<hbm>>
      %dma_wait3A_145 = tpu.memref_squeeze %dma_wait3A_144 : memref<1x10000xf32, #tpu.memory_space<hbm>> -> memref<10000xf32, #tpu.memory_space<hbm>>
      tpu.wait_dma2 semaphore(%run_scoped3A_121 : memref<!tpu.dma_semaphore, #tpu.memory_space<semaphore_mem>>) src(%dma_wait3A_145 : memref<10000xf32, #tpu.memory_space<hbm>>) dst(%dma_wait3A_142 : memref<10000xf32, #tpu.memory_space<vmem>>)
      tpu.yield
    }) : () -> ()
    %broadcast_in_dim3A = arith.constant 0.000000e+00 : f32
    %broadcast_in_dim3A_14 = vector.broadcast %broadcast_in_dim3A : f32 to vector<16xf32>
    %scan3A = arith.constant 0 : i32
    %scan3A_15 = arith.constant 0 : i32
    %scan3A_16 = arith.constant 625 : i32
    %scan3A_17 = arith.addi %scan3A_15, %scan3A_16 : i32
    %scan3A_18 = arith.constant 1 : i32
    scf.for %scan3A_121 = %scan3A_15 to %scan3A_17 step %scan3A_18  : i32 {
      %mul3A_122 = arith.constant 16 : i32
      %mul3A_123 = arith.muli %scan3A_121, %mul3A_122 : i32
      %swap3A_124 = arith.constant 0 : i32
      %swap3A_125 = arith.index_cast %swap3A_124 : i32 to index
      %swap3A_126 = arith.index_cast %mul3A_123 : i32 to index
      %swap3A_127 = tpu.vector_load %arg12[%swap3A_125, %swap3A_126] {strides = array<i32>} : memref<4x10000xf32, #tpu.memory_space<vmem>>, vector<16xf32>,
      tpu.vector_store %arg12[%swap3A_125, %swap3A_126], %broadcast_in_dim3A_14 {strides = array<i32>} : memref<4x10000xf32, #tpu.memory_space<vmem>>, vector<16xf32>,
      %mul3A_128 = arith.constant 16 : i32
      %mul3A_129 = arith.muli %scan3A_121, %mul3A_128 : i32
      %swap3A_130 = arith.constant 1 : i32
      %swap3A_131 = arith.index_cast %swap3A_130 : i32 to index
      %swap3A_132 = arith.index_cast %mul3A_129 : i32 to index
      %swap3A_133 = tpu.vector_load %arg12[%swap3A_131, %swap3A_132] {strides = array<i32>} : memref<4x10000xf32, #tpu.memory_space<vmem>>, vector<16xf32>,
      tpu.vector_store %arg12[%swap3A_131, %swap3A_132], %broadcast_in_dim3A_14 {strides = array<i32>} : memref<4x10000xf32, #tpu.memory_space<vmem>>, vector<16xf32>,
      %mul3A_134 = arith.constant 16 : i32
      %mul3A_135 = arith.muli %scan3A_121, %mul3A_134 : i32
      %swap3A_136 = arith.constant 2 : i32
      %swap3A_137 = arith.index_cast %swap3A_136 : i32 to index
      %swap3A_138 = arith.index_cast %mul3A_135 : i32 to index
      %swap3A_139 = tpu.vector_load %arg12[%swap3A_137, %swap3A_138] {strides = array<i32>} : memref<4x10000xf32, #tpu.memory_space<vmem>>, vector<16xf32>,
      tpu.vector_store %arg12[%swap3A_137, %swap3A_138], %broadcast_in_dim3A_14 {strides = array<i32>} : memref<4x10000xf32, #tpu.memory_space<vmem>>, vector<16xf32>,
      %mul3A_140 = arith.constant 16 : i32
      %mul3A_141 = arith.muli %scan3A_121, %mul3A_140 : i32
      %swap3A_142 = arith.constant 3 : i32
      %swap3A_143 = arith.index_cast %swap3A_142 : i32 to index
      %swap3A_144 = arith.index_cast %mul3A_141 : i32 to index
      %swap3A_145 = tpu.vector_load %arg12[%swap3A_143, %swap3A_144] {strides = array<i32>} : memref<4x10000xf32, #tpu.memory_space<vmem>>, vector<16xf32>,
      tpu.vector_store %arg12[%swap3A_143, %swap3A_144], %broadcast_in_dim3A_14 {strides = array<i32>} : memref<4x10000xf32, #tpu.memory_space<vmem>>, vector<16xf32>,
    }
    %scan3A_19 = arith.constant 625 : i32
    %broadcast_in_dim3A_20 = vector.broadcast %add3A : i32 to vector<16xi32>
    %broadcast_in_dim3A_21 = arith.constant 0 : i32
    %broadcast_in_dim3A_22 = vector.broadcast %broadcast_in_dim3A_21 : i32 to vector<16xi32>
    %gather3A = tpu.vector_load_idx %arg9[%broadcast_in_dim3A_20, %broadcast_in_dim3A_22] : memref<32x4xi32, #tpu.memory_space<vmem>>[vector<16xi32>, vector<16xi32>], vector<16xi32>,
    %broadcast_in_dim3A_23 = arith.constant 1 : i32
    %broadcast_in_dim3A_24 = vector.broadcast %broadcast_in_dim3A_23 : i32 to vector<16xi32>
    %gather3A_25 = tpu.vector_load_idx %arg9[%broadcast_in_dim3A_20, %broadcast_in_dim3A_24] : memref<32x4xi32, #tpu.memory_space<vmem>>[vector<16xi32>, vector<16xi32>], vector<16xi32>,
    %broadcast_in_dim3A_26 = arith.constant 2 : i32
    %broadcast_in_dim3A_27 = vector.broadcast %broadcast_in_dim3A_26 : i32 to vector<16xi32>
    %gather3A_28 = tpu.vector_load_idx %arg9[%broadcast_in_dim3A_20, %broadcast_in_dim3A_27] : memref<32x4xi32, #tpu.memory_space<vmem>>[vector<16xi32>, vector<16xi32>], vector<16xi32>,
    %broadcast_in_dim3A_29 = arith.constant 3 : i32
    %broadcast_in_dim3A_30 = vector.broadcast %broadcast_in_dim3A_29 : i32 to vector<16xi32>
    %gather3A_31 = tpu.vector_load_idx %arg9[%broadcast_in_dim3A_20, %broadcast_in_dim3A_30] : memref<32x4xi32, #tpu.memory_space<vmem>>[vector<16xi32>, vector<16xi32>], vector<16xi32>,
    %broadcast_in_dim3A_32 = arith.constant 0 : i32
    %broadcast_in_dim3A_33 = vector.broadcast %broadcast_in_dim3A_32 : i32 to vector<16xi32>
    %broadcast_in_dim3A_34 = arith.constant 1 : i32
    %broadcast_in_dim3A_35 = vector.broadcast %broadcast_in_dim3A_34 : i32 to vector<16xi32>
    %broadcast_in_dim3A_36 = arith.constant 2 : i32
    %broadcast_in_dim3A_37 = vector.broadcast %broadcast_in_dim3A_36 : i32 to vector<16xi32>
    %broadcast_in_dim3A_38 = arith.constant 3 : i32
    %broadcast_in_dim3A_39 = vector.broadcast %broadcast_in_dim3A_38 : i32 to vector<16xi32>
    %broadcast_in_dim3A_40 = arith.constant 0 : i32
    %broadcast_in_dim3A_41 = vector.broadcast %broadcast_in_dim3A_40 : i32 to vector<16xi32>
    %broadcast_in_dim3A_42 = arith.constant 4 : i32
    %broadcast_in_dim3A_43 = vector.broadcast %broadcast_in_dim3A_42 : i32 to vector<16xi32>
    %iota3A = tpu.iota {dimensions = array<i32: 0>} : vector<16xi32>
    %eq3A = arith.cmpi eq, %iota3A, %broadcast_in_dim3A_41 : vector<16xi32>
    %swap3A = arith.constant 0 : i32
    %swap3A_44 = arith.index_cast %swap3A : i32 to index
    %swap3A_45 = arith.constant 0 : index
    %swap3A_46 = tpu.vector_load %arg10[%swap3A_44, %swap3A_45] {strides = array<i32>} : memref<1x64xi32, #tpu.memory_space<vmem>>, vector<16xi32>,
    tpu.vector_store %arg10[%swap3A_44, %swap3A_45], %broadcast_in_dim3A_43 {strides = array<i32>} : memref<1x64xi32, #tpu.memory_space<vmem>>, vector<16xi32>,
    %swap3A_47 = arith.constant 0 : i32
    %swap3A_48 = arith.index_cast %swap3A_47 : i32 to index
    %swap3A_49 = arith.constant 16 : index
    %swap3A_50 = tpu.vector_load %arg10[%swap3A_48, %swap3A_49] {strides = array<i32>} : memref<1x64xi32, #tpu.memory_space<vmem>>, vector<16xi32>,
    tpu.vector_store %arg10[%swap3A_48, %swap3A_49], %broadcast_in_dim3A_43 {strides = array<i32>} : memref<1x64xi32, #tpu.memory_space<vmem>>, vector<16xi32>,
    %swap3A_51 = arith.constant 0 : i32
    %swap3A_52 = arith.index_cast %swap3A_51 : i32 to index
    %swap3A_53 = arith.constant 32 : index
    %swap3A_54 = tpu.vector_load %arg10[%swap3A_52, %swap3A_53] {strides = array<i32>} : memref<1x64xi32, #tpu.memory_space<vmem>>, vector<16xi32>,
    tpu.vector_store %arg10[%swap3A_52, %swap3A_53], %broadcast_in_dim3A_43 {strides = array<i32>} : memref<1x64xi32, #tpu.memory_space<vmem>>, vector<16xi32>,
    %swap3A_55 = arith.constant 0 : i32
    %swap3A_56 = arith.index_cast %swap3A_55 : i32 to index
    %swap3A_57 = arith.constant 48 : index
    %swap3A_58 = tpu.vector_load %arg10[%swap3A_56, %swap3A_57] {strides = array<i32>} : memref<1x64xi32, #tpu.memory_space<vmem>>, vector<16xi32>,
    tpu.vector_store %arg10[%swap3A_56, %swap3A_57], %broadcast_in_dim3A_43 {strides = array<i32>} : memref<1x64xi32, #tpu.memory_space<vmem>>, vector<16xi32>,
    tpu.vector_store_idx %arg10[%broadcast_in_dim3A_41, %gather3A], %broadcast_in_dim3A_33 masked %eq3A : memref<1x64xi32, #tpu.memory_space<vmem>>[vector<16xi32>, vector<16xi32>], vector<16xi32>, vector<16xi1>
    tpu.vector_store_idx %arg10[%broadcast_in_dim3A_41, %gather3A_25], %broadcast_in_dim3A_35 masked %eq3A : memref<1x64xi32, #tpu.memory_space<vmem>>[vector<16xi32>, vector<16xi32>], vector<16xi32>, vector<16xi1>
    tpu.vector_store_idx %arg10[%broadcast_in_dim3A_41, %gather3A_28], %broadcast_in_dim3A_37 masked %eq3A : memref<1x64xi32, #tpu.memory_space<vmem>>[vector<16xi32>, vector<16xi32>], vector<16xi32>, vector<16xi1>
    tpu.vector_store_idx %arg10[%broadcast_in_dim3A_41, %gather3A_31], %broadcast_in_dim3A_39 masked %eq3A : memref<1x64xi32, #tpu.memory_space<vmem>>[vector<16xi32>, vector<16xi32>], vector<16xi32>, vector<16xi1>
    %broadcast_in_dim3A_59 = arith.constant 0 : i32
    %broadcast_in_dim3A_60 = vector.broadcast %broadcast_in_dim3A_59 : i32 to vector<16xi32>
    %eq3A_61 = arith.cmpi eq, %gather3A, %gather3A_25 : vector<16xi32>
    %convert_element_type3A = arith.extui %eq3A_61 : vector<16xi1> to vector<16xi32>
    %add3A_62 = arith.addi %broadcast_in_dim3A_60, %convert_element_type3A : vector<16xi32>
    %eq3A_63 = arith.cmpi eq, %gather3A, %gather3A_28 : vector<16xi32>
    %convert_element_type3A_64 = arith.extui %eq3A_63 : vector<16xi1> to vector<16xi32>
    %add3A_65 = arith.addi %add3A_62, %convert_element_type3A_64 : vector<16xi32>
    %eq3A_66 = arith.cmpi eq, %gather3A, %gather3A_31 : vector<16xi32>
    %convert_element_type3A_67 = arith.extui %eq3A_66 : vector<16xi1> to vector<16xi32>
    %add3A_68 = arith.addi %add3A_65, %convert_element_type3A_67 : vector<16xi32>
    %eq3A_69 = arith.cmpi eq, %gather3A_25, %gather3A_28 : vector<16xi32>
    %convert_element_type3A_70 = arith.extui %eq3A_69 : vector<16xi1> to vector<16xi32>
    %add3A_71 = arith.addi %add3A_68, %convert_element_type3A_70 : vector<16xi32>
    %eq3A_72 = arith.cmpi eq, %gather3A_25, %gather3A_31 : vector<16xi32>
    %convert_element_type3A_73 = arith.extui %eq3A_72 : vector<16xi1> to vector<16xi32>
    %add3A_74 = arith.addi %add3A_71, %convert_element_type3A_73 : vector<16xi32>
    %eq3A_75 = arith.cmpi eq, %gather3A_28, %gather3A_31 : vector<16xi32>
    %convert_element_type3A_76 = arith.extui %eq3A_75 : vector<16xi1> to vector<16xi32>
    %add3A_77 = arith.addi %add3A_74, %convert_element_type3A_76 : vector<16xi32>
    %reduce_sum3A = arith.constant true
    %reduce_sum3A_78 = vector.broadcast %reduce_sum3A : i1 to vector<16xi1>
    %reduce_sum3A_79 = tpu.scan <sum>, %add3A_77 masked %reduce_sum3A_78 : vector<16xi32>, vector<16xi1> -> vector<16xi32>
    %reduce_sum3A_80 = vector.extract %reduce_sum3A_79[15] : i32 from vector<16xi32>
    %gt3A = arith.constant 0 : i32
    %gt3A_81 = arith.cmpi sgt, %reduce_sum3A_80, %gt3A : i32
    %mul3A_82 = arith.constant 2 : i32
    %mul3A_83 = arith.muli %mul3A_82, %add3A : i32
    %add3A_84 = arith.constant 0 : i32
    %add3A_85 = arith.addi %add3A_84, %mul3A_83 : i32
    %rem3A = arith.constant 20 : i32
    %rem3A_86 = arith.remsi %add3A_85, %rem3A : i32
    %mul3A_87 = arith.constant 8000 : i32
    %mul3A_88 = arith.muli %rem3A_86, %mul3A_87 : i32
    %dma_start3A = tpu.memref_slice %arg3[%mul3A_88] : memref<160000xi32, #tpu.memory_space<hbm>> -> memref<8000xi32, #tpu.memory_space<hbm>>
    %dma_start3A_89 = tpu.memref_slice %arg3[%mul3A_88] : memref<160000xi32, #tpu.memory_space<hbm>> -> memref<8000xi32, #tpu.memory_space<hbm>>
    tpu.enqueue_dma source(%dma_start3A_89 : memref<8000xi32, #tpu.memory_space<hbm>>) target(%arg13 : memref<8000xi32, #tpu.memory_space<vmem>>) target_semaphore(%arg17 : memref<!tpu.dma_semaphore, #tpu.memory_space<semaphore_mem>>)
    %dma_start3A_90 = tpu.memref_slice %arg4[%mul3A_88] : memref<160000xi32, #tpu.memory_space<hbm>> -> memref<8000xi32, #tpu.memory_space<hbm>>
    %dma_start3A_91 = tpu.memref_slice %arg4[%mul3A_88] : memref<160000xi32, #tpu.memory_space<hbm>> -> memref<8000xi32, #tpu.memory_space<hbm>>
    tpu.enqueue_dma source(%dma_start3A_91 : memref<8000xi32, #tpu.memory_space<hbm>>) target(%arg14 : memref<8000xi32, #tpu.memory_space<vmem>>) target_semaphore(%arg17 : memref<!tpu.dma_semaphore, #tpu.memory_space<semaphore_mem>>)
    %mul3A_92 = arith.constant 2 : i32
    %mul3A_93 = arith.muli %mul3A_92, %add3A : i32
    %add3A_94 = arith.constant 1 : i32
    %add3A_95 = arith.addi %add3A_94, %mul3A_93 : i32
    %rem3A_96 = arith.constant 20 : i32
    %rem3A_97 = arith.remsi %add3A_95, %rem3A_96 : i32
    %mul3A_98 = arith.constant 8000 : i32
    %mul3A_99 = arith.muli %rem3A_97, %mul3A_98 : i32
    %dma_start3A_100 = tpu.memref_slice %arg3[%mul3A_99] : memref<160000xi32, #tpu.memory_space<hbm>> -> memref<8000xi32, #tpu.memory_space<hbm>>
    %dma_start3A_101 = tpu.memref_slice %arg3[%mul3A_99] : memref<160000xi32, #tpu.memory_space<hbm>> -> memref<8000xi32, #tpu.memory_space<hbm>>
    tpu.enqueue_dma source(%dma_start3A_101 : memref<8000xi32, #tpu.memory_space<hbm>>) target(%arg15 : memref<8000xi32, #tpu.memory_space<vmem>>) target_semaphore(%arg18 : memref<!tpu.dma_semaphore, #tpu.memory_space<semaphore_mem>>)
    %dma_start3A_102 = tpu.memref_slice %arg4[%mul3A_99] : memref<160000xi32, #tpu.memory_space<hbm>> -> memref<8000xi32, #tpu.memory_space<hbm>>
    %dma_start3A_103 = tpu.memref_slice %arg4[%mul3A_99] : memref<160000xi32, #tpu.memory_space<hbm>> -> memref<8000xi32, #tpu.memory_space<hbm>>
    tpu.enqueue_dma source(%dma_start3A_103 : memref<8000xi32, #tpu.memory_space<hbm>>) target(%arg16 : memref<8000xi32, #tpu.memory_space<vmem>>) target_semaphore(%arg18 : memref<!tpu.dma_semaphore, #tpu.memory_space<semaphore_mem>>)
    %not3A = arith.constant true
    %not3A_104 = arith.xori %gt3A_81, %not3A : i1
    %convert_element_type3A_105 = arith.extui %not3A_104 : i1 to i32
    %cond3A = arith.constant 0 : i32
    %cond3A_106 = arith.cmpi ne, %convert_element_type3A_105, %cond3A : i32
    scf.if %cond3A_106 {
      %scan3A_121 = arith.constant 0 : i32
      %scan3A_122 = arith.constant 0 : i32
      %scan3A_123 = arith.constant 10 : i32
      %scan3A_124 = arith.addi %scan3A_122, %scan3A_123 : i32
      %scan3A_125 = arith.constant 1 : i32
      scf.for %scan3A_127 = %scan3A_122 to %scan3A_124 step %scan3A_125  : i32 {
        %dma_wait3A_128 = arith.constant 0 : i32
        %dma_wait3A_129 = tpu.memref_slice %arg3[%dma_wait3A_128] : memref<160000xi32, #tpu.memory_space<hbm>> -> memref<8000xi32, #tpu.memory_space<hbm>>
        %dma_wait3A_130 = arith.constant 0 : i32
        %dma_wait3A_131 = tpu.memref_slice %arg3[%dma_wait3A_130] : memref<160000xi32, #tpu.memory_space<hbm>> -> memref<8000xi32, #tpu.memory_space<hbm>>
        tpu.wait_dma2 semaphore(%arg17 : memref<!tpu.dma_semaphore, #tpu.memory_space<semaphore_mem>>) src(%dma_wait3A_131 : memref<8000xi32, #tpu.memory_space<hbm>>) dst(%arg13 : memref<8000xi32, #tpu.memory_space<vmem>>)
        %dma_wait3A_132 = arith.constant 0 : i32
        %dma_wait3A_133 = tpu.memref_slice %arg4[%dma_wait3A_132] : memref<160000xi32, #tpu.memory_space<hbm>> -> memref<8000xi32, #tpu.memory_space<hbm>>
        %dma_wait3A_134 = arith.constant 0 : i32
        %dma_wait3A_135 = tpu.memref_slice %arg4[%dma_wait3A_134] : memref<160000xi32, #tpu.memory_space<hbm>> -> memref<8000xi32, #tpu.memory_space<hbm>>
        tpu.wait_dma2 semaphore(%arg17 : memref<!tpu.dma_semaphore, #tpu.memory_space<semaphore_mem>>) src(%dma_wait3A_135 : memref<8000xi32, #tpu.memory_space<hbm>>) dst(%arg14 : memref<8000xi32, #tpu.memory_space<vmem>>)
        %parallel_loop3A = arith.constant 0 : i32
        %parallel_loop3A_136 = arith.constant 500 : i32
        %parallel_loop3A_137 = arith.constant 1 : i32
        scf.for %parallel_loop3A_158 = %parallel_loop3A to %parallel_loop3A_136 step %parallel_loop3A_137  : i32 {
          %parallel_loop3A_159 = arith.constant 16 : i32
          %parallel_loop3A_160 = arith.muli %parallel_loop3A_158, %parallel_loop3A_159 : i32
          %parallel_loop3A_161 = arith.index_cast %parallel_loop3A_160 : i32 to index
          %parallel_loop3A_162 = tpu.vector_load %arg13[%parallel_loop3A_161] {strides = array<i32>} : memref<8000xi32, #tpu.memory_space<vmem>>, vector<16xi32>,
          %parallel_loop3A_163 = arith.constant 16 : i32
          %parallel_loop3A_164 = arith.muli %parallel_loop3A_158, %parallel_loop3A_163 : i32
          %parallel_loop3A_165 = arith.index_cast %parallel_loop3A_164 : i32 to index
          %parallel_loop3A_166 = tpu.vector_load %arg14[%parallel_loop3A_165] {strides = array<i32>} : memref<8000xi32, #tpu.memory_space<vmem>>, vector<16xi32>,
          %parallel_loop3A_167 = arith.constant 16 : i32
          %parallel_loop3A_168 = vector.broadcast %parallel_loop3A_167 : i32 to vector<16xi32>
          %parallel_loop3A_169 = arith.shrui %parallel_loop3A_162, %parallel_loop3A_168 : vector<16xi32>
          %parallel_loop3A_170 = arith.constant 65535 : i32
          %parallel_loop3A_171 = vector.broadcast %parallel_loop3A_170 : i32 to vector<16xi32>
          %parallel_loop3A_172 = arith.andi %parallel_loop3A_162, %parallel_loop3A_171 : vector<16xi32>
          %parallel_loop3A_173 = tpu.vector_load_idx %arg10[%broadcast_in_dim3A_41, %parallel_loop3A_169] : memref<1x64xi32, #tpu.memory_space<vmem>>[vector<16xi32>, vector<16xi32>], vector<16xi32>,
          %parallel_loop3A_174 = arith.cmpi ne, %parallel_loop3A_173, %broadcast_in_dim3A_43 : vector<16xi32>
          %parallel_loop3A_175 = tpu.vector_load_idx %arg11[%parallel_loop3A_173, %parallel_loop3A_172] masked %parallel_loop3A_174 : memref<4x10000xf32, #tpu.memory_space<vmem>>[vector<16xi32>, vector<16xi32>], vector<16xf32>, vector<16xi1>
          tpu.vector_store_idx %arg12[%parallel_loop3A_173, %parallel_loop3A_166], %parallel_loop3A_175 masked %parallel_loop3A_174 {add = true} : memref<4x10000xf32, #tpu.memory_space<vmem>>[vector<16xi32>, vector<16xi32>], vector<16xf32>, vector<16xi1>
        } {sc.loop_unroll_factor = 8 : i64, sc.parallel_access}
        %lt3A = arith.constant 9 : i32
        %lt3A_138 = arith.cmpi slt, %scan3A_127, %lt3A : i32
        %convert_element_type3A_139 = arith.extui %lt3A_138 : i1 to i32
        %cond3A_140 = arith.constant 0 : i32
        %cond3A_141 = arith.cmpi ne, %convert_element_type3A_139, %cond3A_140 : i32
        scf.if %cond3A_141 {
          %mul3A_158 = arith.constant 2 : i32
          %mul3A_159 = arith.muli %mul3A_158, %scan3A_127 : i32
          %add3A_160 = arith.constant 2 : i32
          %add3A_161 = arith.addi %mul3A_159, %add3A_160 : i32
          %mul3A_162 = arith.constant 2 : i32
          %mul3A_163 = arith.muli %mul3A_162, %add3A : i32
          %add3A_164 = arith.addi %add3A_161, %mul3A_163 : i32
          %rem3A_165 = arith.constant 20 : i32
          %rem3A_166 = arith.remsi %add3A_164, %rem3A_165 : i32
          %mul3A_167 = arith.constant 8000 : i32
          %mul3A_168 = arith.muli %rem3A_166, %mul3A_167 : i32
          %dma_start3A_169 = tpu.memref_slice %arg3[%mul3A_168] : memref<160000xi32, #tpu.memory_space<hbm>> -> memref<8000xi32, #tpu.memory_space<hbm>>
          %dma_start3A_170 = tpu.memref_slice %arg3[%mul3A_168] : memref<160000xi32, #tpu.memory_space<hbm>> -> memref<8000xi32, #tpu.memory_space<hbm>>
          tpu.enqueue_dma source(%dma_start3A_170 : memref<8000xi32, #tpu.memory_space<hbm>>) target(%arg13 : memref<8000xi32, #tpu.memory_space<vmem>>) target_semaphore(%arg17 : memref<!tpu.dma_semaphore, #tpu.memory_space<semaphore_mem>>)
          %dma_start3A_171 = tpu.memref_slice %arg4[%mul3A_168] : memref<160000xi32, #tpu.memory_space<hbm>> -> memref<8000xi32, #tpu.memory_space<hbm>>
          %dma_start3A_172 = tpu.memref_slice %arg4[%mul3A_168] : memref<160000xi32, #tpu.memory_space<hbm>> -> memref<8000xi32, #tpu.memory_space<hbm>>
          tpu.enqueue_dma source(%dma_start3A_172 : memref<8000xi32, #tpu.memory_space<hbm>>) target(%arg14 : memref<8000xi32, #tpu.memory_space<vmem>>) target_semaphore(%arg17 : memref<!tpu.dma_semaphore, #tpu.memory_space<semaphore_mem>>)
        } else {
        }
        %dma_wait3A_142 = arith.constant 0 : i32
        %dma_wait3A_143 = tpu.memref_slice %arg3[%dma_wait3A_142] : memref<160000xi32, #tpu.memory_space<hbm>> -> memref<8000xi32, #tpu.memory_space<hbm>>
        %dma_wait3A_144 = arith.constant 0 : i32
        %dma_wait3A_145 = tpu.memref_slice %arg3[%dma_wait3A_144] : memref<160000xi32, #tpu.memory_space<hbm>> -> memref<8000xi32, #tpu.memory_space<hbm>>
        tpu.wait_dma2 semaphore(%arg18 : memref<!tpu.dma_semaphore, #tpu.memory_space<semaphore_mem>>) src(%dma_wait3A_145 : memref<8000xi32, #tpu.memory_space<hbm>>) dst(%arg15 : memref<8000xi32, #tpu.memory_space<vmem>>)
        %dma_wait3A_146 = arith.constant 0 : i32
        %dma_wait3A_147 = tpu.memref_slice %arg4[%dma_wait3A_146] : memref<160000xi32, #tpu.memory_space<hbm>> -> memref<8000xi32, #tpu.memory_space<hbm>>
        %dma_wait3A_148 = arith.constant 0 : i32
        %dma_wait3A_149 = tpu.memref_slice %arg4[%dma_wait3A_148] : memref<160000xi32, #tpu.memory_space<hbm>> -> memref<8000xi32, #tpu.memory_space<hbm>>
        tpu.wait_dma2 semaphore(%arg18 : memref<!tpu.dma_semaphore, #tpu.memory_space<semaphore_mem>>) src(%dma_wait3A_149 : memref<8000xi32, #tpu.memory_space<hbm>>) dst(%arg16 : memref<8000xi32, #tpu.memory_space<vmem>>)
        %parallel_loop3A_150 = arith.constant 0 : i32
        %parallel_loop3A_151 = arith.constant 500 : i32
        %parallel_loop3A_152 = arith.constant 1 : i32
        scf.for %parallel_loop3A_158 = %parallel_loop3A_150 to %parallel_loop3A_151 step %parallel_loop3A_152  : i32 {
          %parallel_loop3A_159 = arith.constant 16 : i32
          %parallel_loop3A_160 = arith.muli %parallel_loop3A_158, %parallel_loop3A_159 : i32
          %parallel_loop3A_161 = arith.index_cast %parallel_loop3A_160 : i32 to index
          %parallel_loop3A_162 = tpu.vector_load %arg15[%parallel_loop3A_161] {strides = array<i32>} : memref<8000xi32, #tpu.memory_space<vmem>>, vector<16xi32>,
          %parallel_loop3A_163 = arith.constant 16 : i32
          %parallel_loop3A_164 = arith.muli %parallel_loop3A_158, %parallel_loop3A_163 : i32
          %parallel_loop3A_165 = arith.index_cast %parallel_loop3A_164 : i32 to index
          %parallel_loop3A_166 = tpu.vector_load %arg16[%parallel_loop3A_165] {strides = array<i32>} : memref<8000xi32, #tpu.memory_space<vmem>>, vector<16xi32>,
          %parallel_loop3A_167 = arith.constant 16 : i32
          %parallel_loop3A_168 = vector.broadcast %parallel_loop3A_167 : i32 to vector<16xi32>
          %parallel_loop3A_169 = arith.shrui %parallel_loop3A_162, %parallel_loop3A_168 : vector<16xi32>
          %parallel_loop3A_170 = arith.constant 65535 : i32
          %parallel_loop3A_171 = vector.broadcast %parallel_loop3A_170 : i32 to vector<16xi32>
          %parallel_loop3A_172 = arith.andi %parallel_loop3A_162, %parallel_loop3A_171 : vector<16xi32>
          %parallel_loop3A_173 = tpu.vector_load_idx %arg10[%broadcast_in_dim3A_41, %parallel_loop3A_169] : memref<1x64xi32, #tpu.memory_space<vmem>>[vector<16xi32>, vector<16xi32>], vector<16xi32>,
          %parallel_loop3A_174 = arith.cmpi ne, %parallel_loop3A_173, %broadcast_in_dim3A_43 : vector<16xi32>
          %parallel_loop3A_175 = tpu.vector_load_idx %arg11[%parallel_loop3A_173, %parallel_loop3A_172] masked %parallel_loop3A_174 : memref<4x10000xf32, #tpu.memory_space<vmem>>[vector<16xi32>, vector<16xi32>], vector<16xf32>, vector<16xi1>
          tpu.vector_store_idx %arg12[%parallel_loop3A_173, %parallel_loop3A_166], %parallel_loop3A_175 masked %parallel_loop3A_174 {add = true} : memref<4x10000xf32, #tpu.memory_space<vmem>>[vector<16xi32>, vector<16xi32>], vector<16xf32>, vector<16xi1>
        } {sc.loop_unroll_factor = 8 : i64, sc.parallel_access}
        %lt3A_153 = arith.constant 9 : i32
        %lt3A_154 = arith.cmpi slt, %scan3A_127, %lt3A_153 : i32
        %convert_element_type3A_155 = arith.extui %lt3A_154 : i1 to i32
        %cond3A_156 = arith.constant 0 : i32
        %cond3A_157 = arith.cmpi ne, %convert_element_type3A_155, %cond3A_156 : i32
        scf.if %cond3A_157 {
          %mul3A_158 = arith.constant 2 : i32
          %mul3A_159 = arith.muli %mul3A_158, %scan3A_127 : i32
          %add3A_160 = arith.constant 3 : i32
          %add3A_161 = arith.addi %mul3A_159, %add3A_160 : i32
          %mul3A_162 = arith.constant 2 : i32
          %mul3A_163 = arith.muli %mul3A_162, %add3A : i32
          %add3A_164 = arith.addi %add3A_161, %mul3A_163 : i32
          %rem3A_165 = arith.constant 20 : i32
          %rem3A_166 = arith.remsi %add3A_164, %rem3A_165 : i32
          %mul3A_167 = arith.constant 8000 : i32
          %mul3A_168 = arith.muli %rem3A_166, %mul3A_167 : i32
          %dma_start3A_169 = tpu.memref_slice %arg3[%mul3A_168] : memref<160000xi32, #tpu.memory_space<hbm>> -> memref<8000xi32, #tpu.memory_space<hbm>>
          %dma_start3A_170 = tpu.memref_slice %arg3[%mul3A_168] : memref<160000xi32, #tpu.memory_space<hbm>> -> memref<8000xi32, #tpu.memory_space<hbm>>
          tpu.enqueue_dma source(%dma_start3A_170 : memref<8000xi32, #tpu.memory_space<hbm>>) target(%arg15 : memref<8000xi32, #tpu.memory_space<vmem>>) target_semaphore(%arg18 : memref<!tpu.dma_semaphore, #tpu.memory_space<semaphore_mem>>)
          %dma_start3A_171 = tpu.memref_slice %arg4[%mul3A_168] : memref<160000xi32, #tpu.memory_space<hbm>> -> memref<8000xi32, #tpu.memory_space<hbm>>
          %dma_start3A_172 = tpu.memref_slice %arg4[%mul3A_168] : memref<160000xi32, #tpu.memory_space<hbm>> -> memref<8000xi32, #tpu.memory_space<hbm>>
          tpu.enqueue_dma source(%dma_start3A_172 : memref<8000xi32, #tpu.memory_space<hbm>>) target(%arg16 : memref<8000xi32, #tpu.memory_space<vmem>>) target_semaphore(%arg18 : memref<!tpu.dma_semaphore, #tpu.memory_space<semaphore_mem>>)
        } else {
        }
      }
      %scan3A_126 = arith.constant 10 : i32
    } else {
    }
    %convert_element_type3A_107 = arith.extui %gt3A_81 : i1 to i32
    %cond3A_108 = arith.constant 0 : i32
    %cond3A_109 = arith.cmpi ne, %convert_element_type3A_107, %cond3A_108 : i32
    scf.if %cond3A_109 {
      %scan3A_121 = arith.constant 0 : i32
      %scan3A_122 = arith.constant 0 : i32
      %scan3A_123 = arith.constant 10 : i32
      %scan3A_124 = arith.addi %scan3A_122, %scan3A_123 : i32
      %scan3A_125 = arith.constant 1 : i32
      scf.for %scan3A_127 = %scan3A_122 to %scan3A_124 step %scan3A_125  : i32 {
        %dma_wait3A_128 = arith.constant 0 : i32
        %dma_wait3A_129 = tpu.memref_slice %arg3[%dma_wait3A_128] : memref<160000xi32, #tpu.memory_space<hbm>> -> memref<8000xi32, #tpu.memory_space<hbm>>
        %dma_wait3A_130 = arith.constant 0 : i32
        %dma_wait3A_131 = tpu.memref_slice %arg3[%dma_wait3A_130] : memref<160000xi32, #tpu.memory_space<hbm>> -> memref<8000xi32, #tpu.memory_space<hbm>>
        tpu.wait_dma2 semaphore(%arg17 : memref<!tpu.dma_semaphore, #tpu.memory_space<semaphore_mem>>) src(%dma_wait3A_131 : memref<8000xi32, #tpu.memory_space<hbm>>) dst(%arg13 : memref<8000xi32, #tpu.memory_space<vmem>>)
        %dma_wait3A_132 = arith.constant 0 : i32
        %dma_wait3A_133 = tpu.memref_slice %arg4[%dma_wait3A_132] : memref<160000xi32, #tpu.memory_space<hbm>> -> memref<8000xi32, #tpu.memory_space<hbm>>
        %dma_wait3A_134 = arith.constant 0 : i32
        %dma_wait3A_135 = tpu.memref_slice %arg4[%dma_wait3A_134] : memref<160000xi32, #tpu.memory_space<hbm>> -> memref<8000xi32, #tpu.memory_space<hbm>>
        tpu.wait_dma2 semaphore(%arg17 : memref<!tpu.dma_semaphore, #tpu.memory_space<semaphore_mem>>) src(%dma_wait3A_135 : memref<8000xi32, #tpu.memory_space<hbm>>) dst(%arg14 : memref<8000xi32, #tpu.memory_space<vmem>>)
        %parallel_loop3A = arith.constant 0 : i32
        %parallel_loop3A_136 = arith.constant 500 : i32
        %parallel_loop3A_137 = arith.constant 1 : i32
        scf.for %parallel_loop3A_158 = %parallel_loop3A to %parallel_loop3A_136 step %parallel_loop3A_137  : i32 {
          %parallel_loop3A_159 = arith.constant 16 : i32
          %parallel_loop3A_160 = arith.muli %parallel_loop3A_158, %parallel_loop3A_159 : i32
          %parallel_loop3A_161 = arith.index_cast %parallel_loop3A_160 : i32 to index
          %parallel_loop3A_162 = tpu.vector_load %arg13[%parallel_loop3A_161] {strides = array<i32>} : memref<8000xi32, #tpu.memory_space<vmem>>, vector<16xi32>,
          %parallel_loop3A_163 = arith.constant 16 : i32
          %parallel_loop3A_164 = arith.muli %parallel_loop3A_158, %parallel_loop3A_163 : i32
          %parallel_loop3A_165 = arith.index_cast %parallel_loop3A_164 : i32 to index
          %parallel_loop3A_166 = tpu.vector_load %arg14[%parallel_loop3A_165] {strides = array<i32>} : memref<8000xi32, #tpu.memory_space<vmem>>, vector<16xi32>,
          %parallel_loop3A_167 = arith.constant 16 : i32
          %parallel_loop3A_168 = vector.broadcast %parallel_loop3A_167 : i32 to vector<16xi32>
          %parallel_loop3A_169 = arith.shrui %parallel_loop3A_162, %parallel_loop3A_168 : vector<16xi32>
          %parallel_loop3A_170 = arith.constant 65535 : i32
          %parallel_loop3A_171 = vector.broadcast %parallel_loop3A_170 : i32 to vector<16xi32>
          %parallel_loop3A_172 = arith.andi %parallel_loop3A_162, %parallel_loop3A_171 : vector<16xi32>
          %parallel_loop3A_173 = arith.cmpi eq, %parallel_loop3A_169, %gather3A : vector<16xi32>
          %parallel_loop3A_174 = tpu.vector_load_idx %arg11[%broadcast_in_dim3A_33, %parallel_loop3A_172] : memref<4x10000xf32, #tpu.memory_space<vmem>>[vector<16xi32>, vector<16xi32>], vector<16xf32>,
          tpu.vector_store_idx %arg12[%broadcast_in_dim3A_33, %parallel_loop3A_166], %parallel_loop3A_174 masked %parallel_loop3A_173 {add = true} : memref<4x10000xf32, #tpu.memory_space<vmem>>[vector<16xi32>, vector<16xi32>], vector<16xf32>, vector<16xi1>
          %parallel_loop3A_175 = arith.cmpi eq, %parallel_loop3A_169, %gather3A_25 : vector<16xi32>
          %parallel_loop3A_176 = tpu.vector_load_idx %arg11[%broadcast_in_dim3A_35, %parallel_loop3A_172] : memref<4x10000xf32, #tpu.memory_space<vmem>>[vector<16xi32>, vector<16xi32>], vector<16xf32>,
          tpu.vector_store_idx %arg12[%broadcast_in_dim3A_35, %parallel_loop3A_166], %parallel_loop3A_176 masked %parallel_loop3A_175 {add = true} : memref<4x10000xf32, #tpu.memory_space<vmem>>[vector<16xi32>, vector<16xi32>], vector<16xf32>, vector<16xi1>
          %parallel_loop3A_177 = arith.cmpi eq, %parallel_loop3A_169, %gather3A_28 : vector<16xi32>
          %parallel_loop3A_178 = tpu.vector_load_idx %arg11[%broadcast_in_dim3A_37, %parallel_loop3A_172] : memref<4x10000xf32, #tpu.memory_space<vmem>>[vector<16xi32>, vector<16xi32>], vector<16xf32>,
          tpu.vector_store_idx %arg12[%broadcast_in_dim3A_37, %parallel_loop3A_166], %parallel_loop3A_178 masked %parallel_loop3A_177 {add = true} : memref<4x10000xf32, #tpu.memory_space<vmem>>[vector<16xi32>, vector<16xi32>], vector<16xf32>, vector<16xi1>
          %parallel_loop3A_179 = arith.cmpi eq, %parallel_loop3A_169, %gather3A_31 : vector<16xi32>
          %parallel_loop3A_180 = tpu.vector_load_idx %arg11[%broadcast_in_dim3A_39, %parallel_loop3A_172] : memref<4x10000xf32, #tpu.memory_space<vmem>>[vector<16xi32>, vector<16xi32>], vector<16xf32>,
          tpu.vector_store_idx %arg12[%broadcast_in_dim3A_39, %parallel_loop3A_166], %parallel_loop3A_180 masked %parallel_loop3A_179 {add = true} : memref<4x10000xf32, #tpu.memory_space<vmem>>[vector<16xi32>, vector<16xi32>], vector<16xf32>, vector<16xi1>
        } {sc.loop_unroll_factor = 4 : i64, sc.parallel_access}
        %lt3A = arith.constant 9 : i32
        %lt3A_138 = arith.cmpi slt, %scan3A_127, %lt3A : i32
        %convert_element_type3A_139 = arith.extui %lt3A_138 : i1 to i32
        %cond3A_140 = arith.constant 0 : i32
        %cond3A_141 = arith.cmpi ne, %convert_element_type3A_139, %cond3A_140 : i32
        scf.if %cond3A_141 {
          %mul3A_158 = arith.constant 2 : i32
          %mul3A_159 = arith.muli %mul3A_158, %scan3A_127 : i32
          %add3A_160 = arith.constant 2 : i32
          %add3A_161 = arith.addi %mul3A_159, %add3A_160 : i32
          %mul3A_162 = arith.constant 2 : i32
          %mul3A_163 = arith.muli %mul3A_162, %add3A : i32
          %add3A_164 = arith.addi %add3A_161, %mul3A_163 : i32
          %rem3A_165 = arith.constant 20 : i32
          %rem3A_166 = arith.remsi %add3A_164, %rem3A_165 : i32
          %mul3A_167 = arith.constant 8000 : i32
          %mul3A_168 = arith.muli %rem3A_166, %mul3A_167 : i32
          %dma_start3A_169 = tpu.memref_slice %arg3[%mul3A_168] : memref<160000xi32, #tpu.memory_space<hbm>> -> memref<8000xi32, #tpu.memory_space<hbm>>
          %dma_start3A_170 = tpu.memref_slice %arg3[%mul3A_168] : memref<160000xi32, #tpu.memory_space<hbm>> -> memref<8000xi32, #tpu.memory_space<hbm>>
          tpu.enqueue_dma source(%dma_start3A_170 : memref<8000xi32, #tpu.memory_space<hbm>>) target(%arg13 : memref<8000xi32, #tpu.memory_space<vmem>>) target_semaphore(%arg17 : memref<!tpu.dma_semaphore, #tpu.memory_space<semaphore_mem>>)
          %dma_start3A_171 = tpu.memref_slice %arg4[%mul3A_168] : memref<160000xi32, #tpu.memory_space<hbm>> -> memref<8000xi32, #tpu.memory_space<hbm>>
          %dma_start3A_172 = tpu.memref_slice %arg4[%mul3A_168] : memref<160000xi32, #tpu.memory_space<hbm>> -> memref<8000xi32, #tpu.memory_space<hbm>>
          tpu.enqueue_dma source(%dma_start3A_172 : memref<8000xi32, #tpu.memory_space<hbm>>) target(%arg14 : memref<8000xi32, #tpu.memory_space<vmem>>) target_semaphore(%arg17 : memref<!tpu.dma_semaphore, #tpu.memory_space<semaphore_mem>>)
        } else {
        }
        %dma_wait3A_142 = arith.constant 0 : i32
        %dma_wait3A_143 = tpu.memref_slice %arg3[%dma_wait3A_142] : memref<160000xi32, #tpu.memory_space<hbm>> -> memref<8000xi32, #tpu.memory_space<hbm>>
        %dma_wait3A_144 = arith.constant 0 : i32
        %dma_wait3A_145 = tpu.memref_slice %arg3[%dma_wait3A_144] : memref<160000xi32, #tpu.memory_space<hbm>> -> memref<8000xi32, #tpu.memory_space<hbm>>
        tpu.wait_dma2 semaphore(%arg18 : memref<!tpu.dma_semaphore, #tpu.memory_space<semaphore_mem>>) src(%dma_wait3A_145 : memref<8000xi32, #tpu.memory_space<hbm>>) dst(%arg15 : memref<8000xi32, #tpu.memory_space<vmem>>)
        %dma_wait3A_146 = arith.constant 0 : i32
        %dma_wait3A_147 = tpu.memref_slice %arg4[%dma_wait3A_146] : memref<160000xi32, #tpu.memory_space<hbm>> -> memref<8000xi32, #tpu.memory_space<hbm>>
        %dma_wait3A_148 = arith.constant 0 : i32
        %dma_wait3A_149 = tpu.memref_slice %arg4[%dma_wait3A_148] : memref<160000xi32, #tpu.memory_space<hbm>> -> memref<8000xi32, #tpu.memory_space<hbm>>
        tpu.wait_dma2 semaphore(%arg18 : memref<!tpu.dma_semaphore, #tpu.memory_space<semaphore_mem>>) src(%dma_wait3A_149 : memref<8000xi32, #tpu.memory_space<hbm>>) dst(%arg16 : memref<8000xi32, #tpu.memory_space<vmem>>)
        %parallel_loop3A_150 = arith.constant 0 : i32
        %parallel_loop3A_151 = arith.constant 500 : i32
        %parallel_loop3A_152 = arith.constant 1 : i32
        scf.for %parallel_loop3A_158 = %parallel_loop3A_150 to %parallel_loop3A_151 step %parallel_loop3A_152  : i32 {
          %parallel_loop3A_159 = arith.constant 16 : i32
          %parallel_loop3A_160 = arith.muli %parallel_loop3A_158, %parallel_loop3A_159 : i32
          %parallel_loop3A_161 = arith.index_cast %parallel_loop3A_160 : i32 to index
          %parallel_loop3A_162 = tpu.vector_load %arg15[%parallel_loop3A_161] {strides = array<i32>} : memref<8000xi32, #tpu.memory_space<vmem>>, vector<16xi32>,
          %parallel_loop3A_163 = arith.constant 16 : i32
          %parallel_loop3A_164 = arith.muli %parallel_loop3A_158, %parallel_loop3A_163 : i32
          %parallel_loop3A_165 = arith.index_cast %parallel_loop3A_164 : i32 to index
          %parallel_loop3A_166 = tpu.vector_load %arg16[%parallel_loop3A_165] {strides = array<i32>} : memref<8000xi32, #tpu.memory_space<vmem>>, vector<16xi32>,
          %parallel_loop3A_167 = arith.constant 16 : i32
          %parallel_loop3A_168 = vector.broadcast %parallel_loop3A_167 : i32 to vector<16xi32>
          %parallel_loop3A_169 = arith.shrui %parallel_loop3A_162, %parallel_loop3A_168 : vector<16xi32>
          %parallel_loop3A_170 = arith.constant 65535 : i32
          %parallel_loop3A_171 = vector.broadcast %parallel_loop3A_170 : i32 to vector<16xi32>
          %parallel_loop3A_172 = arith.andi %parallel_loop3A_162, %parallel_loop3A_171 : vector<16xi32>
          %parallel_loop3A_173 = arith.cmpi eq, %parallel_loop3A_169, %gather3A : vector<16xi32>
          %parallel_loop3A_174 = tpu.vector_load_idx %arg11[%broadcast_in_dim3A_33, %parallel_loop3A_172] : memref<4x10000xf32, #tpu.memory_space<vmem>>[vector<16xi32>, vector<16xi32>], vector<16xf32>,
          tpu.vector_store_idx %arg12[%broadcast_in_dim3A_33, %parallel_loop3A_166], %parallel_loop3A_174 masked %parallel_loop3A_173 {add = true} : memref<4x10000xf32, #tpu.memory_space<vmem>>[vector<16xi32>, vector<16xi32>], vector<16xf32>, vector<16xi1>
          %parallel_loop3A_175 = arith.cmpi eq, %parallel_loop3A_169, %gather3A_25 : vector<16xi32>
          %parallel_loop3A_176 = tpu.vector_load_idx %arg11[%broadcast_in_dim3A_35, %parallel_loop3A_172] : memref<4x10000xf32, #tpu.memory_space<vmem>>[vector<16xi32>, vector<16xi32>], vector<16xf32>,
          tpu.vector_store_idx %arg12[%broadcast_in_dim3A_35, %parallel_loop3A_166], %parallel_loop3A_176 masked %parallel_loop3A_175 {add = true} : memref<4x10000xf32, #tpu.memory_space<vmem>>[vector<16xi32>, vector<16xi32>], vector<16xf32>, vector<16xi1>
          %parallel_loop3A_177 = arith.cmpi eq, %parallel_loop3A_169, %gather3A_28 : vector<16xi32>
          %parallel_loop3A_178 = tpu.vector_load_idx %arg11[%broadcast_in_dim3A_37, %parallel_loop3A_172] : memref<4x10000xf32, #tpu.memory_space<vmem>>[vector<16xi32>, vector<16xi32>], vector<16xf32>,
          tpu.vector_store_idx %arg12[%broadcast_in_dim3A_37, %parallel_loop3A_166], %parallel_loop3A_178 masked %parallel_loop3A_177 {add = true} : memref<4x10000xf32, #tpu.memory_space<vmem>>[vector<16xi32>, vector<16xi32>], vector<16xf32>, vector<16xi1>
          %parallel_loop3A_179 = arith.cmpi eq, %parallel_loop3A_169, %gather3A_31 : vector<16xi32>
          %parallel_loop3A_180 = tpu.vector_load_idx %arg11[%broadcast_in_dim3A_39, %parallel_loop3A_172] : memref<4x10000xf32, #tpu.memory_space<vmem>>[vector<16xi32>, vector<16xi32>], vector<16xf32>,
          tpu.vector_store_idx %arg12[%broadcast_in_dim3A_39, %parallel_loop3A_166], %parallel_loop3A_180 masked %parallel_loop3A_179 {add = true} : memref<4x10000xf32, #tpu.memory_space<vmem>>[vector<16xi32>, vector<16xi32>], vector<16xf32>, vector<16xi1>
        } {sc.loop_unroll_factor = 4 : i64, sc.parallel_access}
        %lt3A_153 = arith.constant 9 : i32
        %lt3A_154 = arith.cmpi slt, %scan3A_127, %lt3A_153 : i32
        %convert_element_type3A_155 = arith.extui %lt3A_154 : i1 to i32
        %cond3A_156 = arith.constant 0 : i32
        %cond3A_157 = arith.cmpi ne, %convert_element_type3A_155, %cond3A_156 : i32
        scf.if %cond3A_157 {
          %mul3A_158 = arith.constant 2 : i32
          %mul3A_159 = arith.muli %mul3A_158, %scan3A_127 : i32
          %add3A_160 = arith.constant 3 : i32
          %add3A_161 = arith.addi %mul3A_159, %add3A_160 : i32
          %mul3A_162 = arith.constant 2 : i32
          %mul3A_163 = arith.muli %mul3A_162, %add3A : i32
          %add3A_164 = arith.addi %add3A_161, %mul3A_163 : i32
          %rem3A_165 = arith.constant 20 : i32
          %rem3A_166 = arith.remsi %add3A_164, %rem3A_165 : i32
          %mul3A_167 = arith.constant 8000 : i32
          %mul3A_168 = arith.muli %rem3A_166, %mul3A_167 : i32
          %dma_start3A_169 = tpu.memref_slice %arg3[%mul3A_168] : memref<160000xi32, #tpu.memory_space<hbm>> -> memref<8000xi32, #tpu.memory_space<hbm>>
          %dma_start3A_170 = tpu.memref_slice %arg3[%mul3A_168] : memref<160000xi32, #tpu.memory_space<hbm>> -> memref<8000xi32, #tpu.memory_space<hbm>>
          tpu.enqueue_dma source(%dma_start3A_170 : memref<8000xi32, #tpu.memory_space<hbm>>) target(%arg15 : memref<8000xi32, #tpu.memory_space<vmem>>) target_semaphore(%arg18 : memref<!tpu.dma_semaphore, #tpu.memory_space<semaphore_mem>>)
          %dma_start3A_171 = tpu.memref_slice %arg4[%mul3A_168] : memref<160000xi32, #tpu.memory_space<hbm>> -> memref<8000xi32, #tpu.memory_space<hbm>>
          %dma_start3A_172 = tpu.memref_slice %arg4[%mul3A_168] : memref<160000xi32, #tpu.memory_space<hbm>> -> memref<8000xi32, #tpu.memory_space<hbm>>
          tpu.enqueue_dma source(%dma_start3A_172 : memref<8000xi32, #tpu.memory_space<hbm>>) target(%arg16 : memref<8000xi32, #tpu.memory_space<vmem>>) target_semaphore(%arg18 : memref<!tpu.dma_semaphore, #tpu.memory_space<semaphore_mem>>)
        } else {
        }
      }
      %scan3A_126 = arith.constant 10 : i32
    } else {
    }
    %dma_start3A_110 = arith.constant 0 : i32
    %dma_start3A_111 = tpu.memref_slice %arg8[%add3A, %dma_start3A_110] : memref<32x4xi32, #tpu.memory_space<vmem>> -> memref<1x4xi32, #tpu.memory_space<vmem>>
    %dma_start3A_112 = tpu.memref_squeeze %dma_start3A_111 : memref<1x4xi32, #tpu.memory_space<vmem>> -> memref<4xi32, #tpu.memory_space<vmem>>
    %dma_start3A_113 = arith.constant 0 : i32
    %dma_start3A_114 = arith.constant 0 : i32
    %dma_start3A_115 = tpu.memref_slice %arg7[%dma_start3A_113, %dma_start3A_114] : memref<128x10000xf32, #tpu.memory_space<hbm>> -> memref<128x10000xf32, #tpu.memory_space<hbm>>
    tpu.enqueue_indirect_dma source(%arg12 : memref<4x10000xf32, #tpu.memory_space<vmem>>) target(%dma_start3A_115 : memref<128x10000xf32, #tpu.memory_space<hbm>>) offsets(%dma_start3A_112 : memref<4xi32, #tpu.memory_space<vmem>>) semaphore(%arg17 : memref<!tpu.dma_semaphore, #tpu.memory_space<semaphore_mem>>)
    %dma_wait3A = arith.constant 0 : i32
    %dma_wait3A_116 = tpu.memref_slice %arg8[%add3A, %dma_wait3A] : memref<32x4xi32, #tpu.memory_space<vmem>> -> memref<1x4xi32, #tpu.memory_space<vmem>>
    %dma_wait3A_117 = tpu.memref_squeeze %dma_wait3A_116 : memref<1x4xi32, #tpu.memory_space<vmem>> -> memref<4xi32, #tpu.memory_space<vmem>>
    %dma_wait3A_118 = arith.constant 0 : i32
    %dma_wait3A_119 = arith.constant 0 : i32
    %dma_wait3A_120 = tpu.memref_slice %arg7[%dma_wait3A_118, %dma_wait3A_119] : memref<128x10000xf32, #tpu.memory_space<hbm>> -> memref<128x10000xf32, #tpu.memory_space<hbm>>
    tpu.wait_indirect_dma semaphore(%arg17 : memref<!tpu.dma_semaphore, #tpu.memory_space<semaphore_mem>>) src(%arg12 : memref<4x10000xf32, #tpu.memory_space<vmem>>) dst(%dma_wait3A_120 : memref<128x10000xf32, #tpu.memory_space<hbm>>)
    return
  }
}

module attributes {stable_mosaic.version = 14 : i64} {
  func.func @_tc_body(%arg0: i32, %arg1: memref<128x128xf32, #tpu.memory_space<vmem>>, %arg2: memref<1024x128xf32, #tpu.memory_space<vmem>>, %arg3: memref<64x16384xf32, #tpu.memory_space<vmem>>, %arg4: memref<16384xi32, #tpu.memory_space<vmem>>, %arg5: memref<128x1024xf32, #tpu.memory_space<vmem>>, %arg6: memref<16384xi32, #tpu.memory_space<vmem>>) attributes {dimension_semantics = [#tpu.dimension_semantics<arbitrary>], iteration_bounds = array<i64: 10>, scalar_prefetch = 0 : i64, scratch_operands = 0 : i64, tpu.core_type = #tpu.core_type<tc>, window_params = [{pipeline_mode = #tpu.pipeline_mode<synchronous>, transform_indices = @transform_0, window_bounds = array<i64: 128, 128>}, {transform_indices = @transform_1, window_bounds = array<i64: 1024, 128>}, {transform_indices = @transform_2, window_bounds = array<i64: 64, 16384>}, {transform_indices = @transform_3, window_bounds = array<i64: 16384>}, {transform_indices = @transform_4, window_bounds = array<i64: 128, 1024>}, {transform_indices = @transform_5, window_bounds = array<i64: 16384>}]} {
    %get3A = arith.constant 0 : index
    %get3A_0 = arith.constant 0 : index
    %get3A_1 = vector.load %arg1[%get3A, %get3A_0] : memref<128x128xf32, #tpu.memory_space<vmem>>, vector<128x128xf32>
    %get3A_2 = arith.constant 0 : index
    %get3A_3 = arith.constant 0 : index
    %get3A_4 = vector.load %arg2[%get3A_2, %get3A_3] : memref<1024x128xf32, #tpu.memory_space<vmem>>, vector<1024x128xf32>
    %dot_general3A = arith.constant dense<0.000000e+00> : vector<128x1024xf32>
    %dot_general3A_5 = tpu.matmul %get3A_1, %get3A_4, %dot_general3A {dimension_numbers = #tpu.dot_dimension_numbers<[1], [1], [0], [0], [0, 0, 1, 0], [], []>, transpose_lhs_hint = false} : vector<128x128xf32>, vector<1024x128xf32>, vector<128x1024xf32> -> vector<128x1024xf32>
    %tanh3A = math.tanh %dot_general3A_5 : vector<128x1024xf32>
    %swap3A = arith.constant 0 : index
    %swap3A_6 = arith.constant 0 : index
    %swap3A_7 = vector.load %arg5[%swap3A, %swap3A_6] : memref<128x1024xf32, #tpu.memory_space<vmem>>, vector<128x1024xf32>
    tpu.vector_store %arg5[%swap3A, %swap3A_6], %tanh3A {strides = array<i32>} : memref<128x1024xf32, #tpu.memory_space<vmem>>, vector<128x1024xf32>,
    %iota3A = tpu.iota {dimensions = array<i32: 0>} : vector<64x1xi32>
    %convert_element_type3A = arith.sitofp %iota3A : vector<64x1xi32> to vector<64x1xf32>
    %mul3A = arith.constant 6.553600e+04 : f32
    %mul3A_8 = vector.broadcast %mul3A : f32 to vector<64x1xf32>
    %mul3A_9 = arith.mulf %convert_element_type3A, %mul3A_8 : vector<64x1xf32>
    %get3A_10 = arith.constant 0 : index
    %get3A_11 = arith.constant 0 : index
    %get3A_12 = vector.load %arg3[%get3A_10, %get3A_11] : memref<64x16384xf32, #tpu.memory_space<vmem>>, vector<64x16384xf32>
    %mul3A_13 = vector.broadcast %mul3A_9 : vector<64x1xf32> to vector<64x16384xf32>
    %mul3A_14 = arith.mulf %get3A_12, %mul3A_13 : vector<64x16384xf32>
    %reduce_sum3A = arith.constant dense<0.000000e+00> : vector<16384xf32>
    %reduce_sum3A_15 = vector.multi_reduction <add>, %mul3A_14, %reduce_sum3A [0] : vector<64x16384xf32> to vector<16384xf32>
    %convert_element_type3A_16 = arith.fptosi %reduce_sum3A_15 : vector<16384xf32> to vector<16384xi32>
    %get3A_17 = arith.constant 0 : index
    %get3A_18 = vector.load %arg4[%get3A_17] : memref<16384xi32, #tpu.memory_space<vmem>>, vector<16384xi32>
    %add3A = arith.addi %convert_element_type3A_16, %get3A_18 : vector<16384xi32>
    %swap3A_19 = arith.constant 0 : index
    %swap3A_20 = vector.load %arg6[%swap3A_19] : memref<16384xi32, #tpu.memory_space<vmem>>, vector<16384xi32>
    tpu.vector_store %arg6[%swap3A_19], %add3A {strides = array<i32>} : memref<16384xi32, #tpu.memory_space<vmem>>, vector<16384xi32>,
    return
  }
  func.func @transform_0(%arg0: i32) -> (i32, i32) {
    %c0_i32 = arith.constant 0 : i32
    %c0_i32_0 = arith.constant 0 : i32
    %c0_i32_1 = arith.constant 0 : i32
    return %c0_i32, %c0_i32_0 : i32, i32
  }
  func.func @transform_1(%arg0: i32) -> (i32, i32) {
    %c0_i32 = arith.constant 0 : i32
    %c0_i32_0 = arith.constant 0 : i32
    return %arg0, %c0_i32 : i32, i32
  }
  func.func @transform_2(%arg0: i32) -> (i32, i32) {
    %c0_i32 = arith.constant 0 : i32
    %c0_i32_0 = arith.constant 0 : i32
    return %c0_i32, %arg0 : i32, i32
  }
  func.func @transform_3(%arg0: i32) -> i32 {
    %c0_i32 = arith.constant 0 : i32
    return %arg0 : i32
  }
  func.func @transform_4(%arg0: i32) -> (i32, i32) {
    %c0_i32 = arith.constant 0 : i32
    %c0_i32_0 = arith.constant 0 : i32
    return %c0_i32, %arg0 : i32, i32
  }
  func.func @transform_5(%arg0: i32) -> i32 {
    %c0_i32 = arith.constant 0 : i32
    return %arg0 : i32
  }
}

</mosaic_0001>

<sc_bundles>
// kernel: kernel.4.cloned.1.call-start
scs
__scs_entry_jumppad:
0x0: {  	(pc) =	sbr.rel $0x88, $3  }
0x1: {  	(tag) =	ssettag $0x0;
	lr =	simm.s32 $0x1  }
0x2: {  	[smem:$0x3F9B] =	sst lr;
	_ =	strace $0xD0000000  }
0x3: {  	_ = 	snop  }
0x4: {  	_ = 	snop  }
0x5: {  	_ = 	snop  }
0x6: {  	_ = 	snop  }
0x7: {  	_ = 	snop  }
__scs_overlays_trampoline_lowered:
0x8: {  	[smem:$0x3FAA] =	sst s0  }
0x9: {  	[smem:$0x3FAB] =	sst s1  }
0xa: {  	[smem:$0x3FAC] =	sst s2  }
0xb: {  	[smem:$0x3FAD] =	sst s3  }
0xc: {  	[smem:$0x3FAE] =	sst s4  }
0xd: {  	[smem:$0x3FAF] =	sst s5  }
0xe: {  	[smem:$0x3FB0] =	sst s6  }
0xf: {  	[smem:$0x3FB1] =	sst s7  }
0x10: {  	[smem:$0x3FB2] =	sst s8  }
0x11: {  	[smem:$0x3FB3] =	sst s9;
	s0 =	simm.s32 @!p0 $0x0  }
0x12: {  	s1 =	sld [smem:$0x3F99];
	s0 =	simm.s32 @p0 $0x1  }
0x13: {  	[smem:$0x3FB4] =	sst s0;
	s0 =	simm.s32 @!p1 $0x0  }
0x14: {  	s2 =	sld [smem:$0x3F98];
	s0 =	simm.s32 @p1 $0x1  }
0x15: {  	[smem:$0x3FB5] =	sst s0;
	s0 =	simm.s32 @!p2 $0x0  }
0x16: {  	s3 =	sld [smem:$0x3FDB];
	s0 =	simm.s32 @p2 $0x1  }
0x17: {  	s4 =	simm.s32 $0x1BF5;
	[smem:$0x3FB7] =	sst s0  }
0x18: {  	s0 =	sld [smem:$0x3F9A];
	_ =	swait.ge [sflag:s4], $0x0  }
0x19: {  	s7 =	sld [smem:$0x3F9B]  }
0x1a: {  	s8 =	sadd.s32 $0xFFFFE003, lr  }
0x1b: {  	s9 =	sadd.s32 $0xFFFFFEF7, lr;
	s5 =	simm.s32 $0xFFFFFFFF;
	p2 =	slt.u32 s8, $0xFFFFF086  }
0x1c: {  	p1 =	slt.u32 s9, $0xF7A;
	s5 =	simm.s32 @!p2 $0x0  }
0x1d: {  	s5 =	simm.s32 @p1 $0x1;
	p0 =	seq.s32 s7, s2  }
0x1e: {  	s7 =	smul.u32 @!p0 $0xF7A, s2;
	p2 =	seq.s32 @!p0 s5, $0x0  }
0x1f: {  	s9 =	smul.u32 $0xF7A, s1;
	s8 =	simm.s32 @!p0 $0x1BF5;
	p2 =	por !p2, p0  }
0x20: {  	[sflag:s8] =	ssyncset.s32 @!p0 $0xFFFFF086;
	s6 =	sadd.s32 @!p0 s3, s7;
	s7 =	simm.s32 @!p0 $0x108  }
0x21: {  	s3 =	sadd.s32 s3, s9;
	s6 =	sadd.s32 @!p0 $0x88, s6;
	s7 =	simm.s32 @p2 $0x1082  }
0x22: {  	[simem:s7], [sflag:s8] =	dma.local @!p0 [hbm:s6], $0xF7A  }
0x23: {  	s9 =	sor.u32 $0xD0000000, s2;
	s6 =	simm.s32 $0x108;
	_ =	swait.ge @!p0 [sflag:s8], $0x0  }
0x24: {  	s3 =	sadd.s32 $0x88, s3;
	s6 =	simm.s32 @!p1 $0x1082;
	[sflag:s4] =	ssyncset.s32 $0xFFFFF086  }
0x25: {  	[simem:s6], [sflag:s4] =	dma.local [hbm:s3], $0xF7A  }
0x26: {  	[smem:$0x3F9B] =	sst s1;
	(tag) =	ssettag s2;
	_ =	strace s9  }
0x27: {  	s1 =	sld [smem:$0x3FAB]  }
0x28: {  	s2 =	sld [smem:$0x3FAC]  }
0x29: {  	s4 =	sld [smem:$0x3FAE]  }
0x2a: {  	p0 =	seq.s32 s5, $0x0;
	s5 =	sld [smem:$0x3FAF]  }
0x2b: {  	s6 =	sld [smem:$0x3FB0]  }
0x2c: {  	s7 =	sld [smem:$0x3FB1]  }
0x2d: {  	s3 =	simm.s32 $0x108;
	s8 =	sld [smem:$0x3FB2]  }
0x2e: {  	s3 =	simm.s32 @!p0 $0x1082;
	s9 =	sld [smem:$0x3FB3]  }
0x2f: {  	lr =	sadd.s32 s0, s3;
	s0 =	sld [smem:$0x3FAA]  }
0x30: {  	s3 =	sld [smem:$0x3FAD]  }
0x31: {  	[smem:$0x3FB6] =	sst s10  }
0x32: {  	s10 =	sld [smem:$0x3FB4];
	_ =	sdelay $0x3  }
0x33: {  	p0 =	seq.s32 s10, $0x1;
	s10 =	sld [smem:$0x3FB6];
	_ =	sdelay $0x3  }
0x34: {  	[smem:$0x3FB6] =	sst s10  }
0x35: {  	s10 =	sld [smem:$0x3FB5];
	_ =	sdelay $0x3  }
0x36: {  	p1 =	seq.s32 s10, $0x1;
	s10 =	sld [smem:$0x3FB6];
	_ =	sdelay $0x3  }
0x37: {  	[smem:$0x3FB6] =	sst s10  }
0x38: {  	s10 =	sld [smem:$0x3FB7]  }
0x39: {  	_ = 	snop;
	(pc) =	sbr.ind lr, $3  }
0x3a: {  	_ = 	snop  }
0x3b: {  	_ = 	snop  }
0x3c: {  	p2 =	seq.s32 s10, $0x1;
	s10 =	sld [smem:$0x3FB6]  }
0x3d: {  	_ =	shalt  }
0x3e: {  	_ =	shalt  }
0x3f: {  	_ =	shalt  }
0x40: {  	_ =	shalt  }
0x41: {  	_ =	shalt  }
0x42: {  	_ =	shalt  }
0x43: {  	_ =	shalt  }
0x44: {  	_ =	shalt  }
0x45: {  	_ =	shalt  }
0x46: {  	_ =	shalt  }
0x47: {  	_ =	shalt  }
0x48: {  	_ =	shalt  }
0x49: {  	_ =	shalt  }
0x4a: {  	_ =	shalt  }
0x4b: {  	_ =	shalt  }
0x4c: {  	_ =	shalt  }
0x4d: {  	_ =	shalt  }
0x4e: {  	_ =	shalt  }
0x4f: {  	_ =	shalt  }
0x50: {  	_ =	shalt  }
0x51: {  	_ =	shalt  }
0x52: {  	_ =	shalt  }
0x53: {  	_ =	shalt  }
0x54: {  	_ =	shalt  }
0x55: {  	_ =	shalt  }
0x56: {  	_ =	shalt  }
0x57: {  	_ =	shalt  }
0x58: {  	_ =	shalt  }
0x59: {  	_ =	shalt  }
0x5a: {  	_ =	shalt  }
0x5b: {  	_ =	shalt  }
0x5c: {  	_ =	shalt  }
0x5d: {  	_ =	shalt  }
0x5e: {  	_ =	shalt  }
0x5f: {  	_ =	shalt  }
0x60: {  	_ =	shalt  }
0x61: {  	_ =	shalt  }
0x62: {  	_ =	shalt  }
0x63: {  	_ =	shalt  }
0x64: {  	_ =	shalt  }
0x65: {  	_ =	shalt  }
0x66: {  	_ =	shalt  }
0x67: {  	_ =	shalt  }
0x68: {  	_ =	shalt  }
0x69: {  	_ =	shalt  }
0x6a: {  	_ =	shalt  }
0x6b: {  	_ =	shalt  }
0x6c: {  	_ =	shalt  }
0x6d: {  	_ =	shalt  }
0x6e: {  	_ =	shalt  }
0x6f: {  	_ =	shalt  }
0x70: {  	_ =	shalt  }
0x71: {  	_ =	shalt  }
0x72: {  	_ =	shalt  }
0x73: {  	_ =	shalt  }
0x74: {  	_ =	shalt  }
0x75: {  	_ =	shalt  }
0x76: {  	_ =	shalt  }
0x77: {  	_ =	shalt  }
0x78: {  	_ =	shalt  }
0x79: {  	_ =	shalt  }
0x7a: {  	_ =	shalt  }
0x7b: {  	_ =	shalt  }
0x7c: {  	_ =	shalt  }
0x7d: {  	_ =	shalt  }
0x7e: {  	_ =	shalt  }
0x7f: {  	_ =	shalt  }
0x80: {  	_ =	shalt  }
0x81: {  	_ =	shalt  }
0x82: {  	_ =	shalt  }
0x83: {  	_ =	shalt  }
0x84: {  	_ =	shalt  }
0x85: {  	_ =	shalt  }
0x86: {  	_ =	shalt  }
0x87: {  	_ =	shalt  }
.Lfunc_end0:
.L_simem_size_0:
called_computation_lowered:
.L_overlay_start_0:
0x88: {  	s2 =	sld [smem:$0x3FD9]  }
0x89: {  	s3 =	sld [smem:$0x3FFE];
	_ =	sdelay $0x1  }
0x8a: {  	s1 =	srdreg.scid  }
0x8b: {  	s0 =	sand.u32 $0x1, s1  }
0x8c: {  	s17 =	sshll.u32 s0, $0xA;
	s2 =	sadd.s32 s3, s2  }
0x8d: {  	s2 =	sadd.s32 s2, s17  }
0x8e: {  	[smem:$0x3FC2] =	sst s2  }
0x8f: {  	_ = 	snop  }
0x90: {  	s2 =	sld [smem:$0x3FC5]  }
0x91: {  	s18 =	sld [smem:$0x3FD0];
	(tm) =	ssettm $0x1  }
0x92: {  	s4 =	sld [smem:$0x3FFB];
	_ =	sdelay $0x3  }
0x93: {  	_ =	strace s4  }
0x94: {  	s4 =	sld [smem:$0x3FFC];
	_ =	sdelay $0x3  }
0x95: {  	_ =	strace s4  }
0x96: {  	s4 =	sld [smem:$0x3FFD];
	_ =	sdelay $0x3  }
0x97: {  	_ =	strace s4  }
0x98: {  	_ =	strace $0x8FFFFFFF  }
0x99: {  	s19 =	sld [smem:$0x3FDB];
	_ =	sdelay $0x1  }
0x9a: {  	s5 =	simm.s32 $_scs_section_size  }
0x9b: {  	s6 =	simm.s32 $_size__tile_overlayer_lowered;
	s7 =	simm.s32 $_tile_overlayer_lowered  }
0x9c: {  	s22 =	simm.s32 $0x1BFF;
	s21 =	sshll.u32 s7, $0x1;
	s4 =	sadd.s32 s5, s19  }
0x9d: {  	s8 =	simm.s32 $0x0;
	s20 =	sshll.u32 s6, $0x1;
	s6 =	sadd.s32 s21, s4  }
0x9e: {  	[timem:s8], [sflag:s22] =	dma.local [hbm:s6], s20  }
0x9f: {  	_ =	swait.ge [sflag:s22], s20  }
0xa0: {  	s5 =	ssub.s32 $0x0, s20;
	[sflag:s22] =	ssyncset.done $0x0  }
0xa1: {  	[sflag:s22] =	ssyncadd.s32 s5;
	_ =	sdelay $0x1  }
0xa2: {  	s23 =	simm.s32 $0x1B8B  }
0xa3: {  	_ =	swait.ge [sflag:s23], $0x1  }
0xa4: {  	[sflag:s23] =	ssyncset.done $0x0  }
0xa5: {  	s25 =	simm.s32 $0x1B8E;
	s24 =	sld [smem:$0x3FFE];
	[sflag:s23] =	ssyncadd.s32 $0xFFFFFFFF  }
0xa6: {  	s26 =	simm.s32 $execute0_lowered;
	[smem:$0x3FD2] =	sst s25  }
0xa7: {  	s6 =	sshll.u32 s26, $0x1;
	_ =	strace $0x80000046;
	[dreg:$0x1] =	wrdreg $0xFFFFFFFF  }
0xa8: {  	s28 =	simm.s32 $_size_execute0_lowered;
	s4 =	sadd.s32 s4, s6;
	[dreg:$0x0] =	wrdreg $0x0  }
0xa9: {  	s6 =	sshll.u32 s28, $0x1;
	[dreg:$0x2] =	wrdreg s4  }
0xaa: {  	[dreg:$0x3] =	wrdreg s6  }
0xab: {  	[dreg:$0x4] =	wrdreg $0xC0  }
0xac: {  	_ =	task [dreg:s8], $0x5FFFF  }
0xad: {  	[dreg:$0x1] =	wrdreg $0xFFFFFFFF  }
0xae: {  	[dreg:$0x0] =	wrdreg $0x60  }
0xaf: {  	[dreg:$0x2] =	wrdreg s18  }
0xb0: {  	[dreg:$0x3] =	wrdreg s24  }
0xb1: {  	[dreg:$0x4] =	wrdreg s2  }
0xb2: {  	[dreg:$0x5] =	wrdreg $0x9  }
0xb3: {  	_ =	task.clear_ibuf [dreg:s8], $0x6FFFF;
	_ =	strace $0x90000046  }
0xb4: {  	s29 =	simm.s32 $0x9;
	_ =	strace $0x80000048  }
0xb5: {  	_ =	swait.ge [sflag:s29], $0x1  }
0xb6: {  	[sflag:s29] =	ssyncadd.s32 $0xFFFFFFFF  }
0xb7: {  	_ =	strace $0x90000048  }
0xb8: {  	_ =	sfence  }
0xb9: {  	s30 =	sld [smem:$0x0];
	_ =	sdelay $0x2  }
0xba: {  	s31 =	sshll.u32 s1, $0xD;
	s1 =	sshrl.u32 s1, $0x2  }
0xbb: {  	s3 =	sand.u32 $0x4000, s31;
	s1 =	sadd.s32 s1, s30  }
0xbc: {  	s0 =	sor.u32 s3, s0;
	s1 =	sshll.u32 s1, $0x11  }
0xbd: {  	s0 =	sor.u32 s1, s0  }
0xbe: {  	s0 =	sadd.s32 $0x8F2B, s0  }
0xbf: {  	[sflag:s0] =	ssyncadd.remote.s32 $0x1  }
0xc0: {  	_ =	sfence.sel $0xFFFF  }
0xc1: {  	[dreg:$0x0] =	wrdreg $0xFFFFFFFF;
	(pc) =	sbr.abs _section_cstart, $3  }
0xc2: {  	[dreg:$0x1] =	wrdreg $0xFFFFFFFF  }
0xc3: {  	_ =	task.clear_ibuf [dreg:s8], $0x2FFFF;
	_ =	strace $0x9FFFFFFF  }
0xc4: {  	(tm) =	ssettm $0x7FFFFFFF  }
0xc5: {  	_ =	shalt  }
tec
execute0_lowered:
.L_overlay_start_1:
0x0: {  	(tag) =	ssettag $0x1  }
0x1: {  	s0 =	rddreg [dreg:$0x0]  }
0x2: {  	s1 =	rddreg [dreg:$0x1]  }
0x3: {  	s2 =	rddreg [dreg:$0x2]  }
0x4: {  	s4 =	srdreg.scid;
	s6 =	stileid.u32  }
0x5: {  	s3 =	simm.s32 $0x0;
	s20 =	simm.s32 $0x3;
	s21 =	simm.s32 $0x100  }
0x6: {  	s22 =	simm.s32 $0x240;
	s30 =	simm.s32 $0x17940;
	s31 =	simm.s32 $0x19880  }
0x7: {  	s23 =	simm.s32 $0x2;
	s5 =	sand.u32 $0x1, s4;
	s24 =	sshll.u32 s6, $0x1  }
0x8: {  	[smem:$0x7FF] =	sst s3;
	s4 =	sadd.s32 $0x800, s1;
	s7 =	sadd.s32 $0x400, s1  }
0x9: {  	s25 =	sadd.s32 $0x600, s1;
	_ =	strace $0x80000047;
	[dreg:$0x4] =	wrdreg s7  }
0xa: {  	s1 =	sadd.s32 $0x5800, s1;
	s6 =	sor.u32 s5, s24;
	[dreg:$0x5] =	wrdreg s25  }
0xb: {  	[dreg:$0x6] =	wrdreg s1;
	s5 =	ssub.s32 $0x2, s5;
	s8 =	smul.u32 $0x1388, s6  }
0xc: {  	s25 =	simm.s32 $0x0;
	s9 =	smul.u32 $0x1A, s6;
	s10 =	sshllo.u32 s6, $0x1  }
0xd: {  	s11 =	smul.u32 $0x9C40, s6;
	s12 =	sshrl.u32 s5, $0x1;
	s18 =	sshll.u32 s6, $0x1  }
0xe: {  	s26 =	smul.u32 $0xD, s10;
	s5 =	ssub.s32 s5, s12;
	s12 =	sshll.u32 s6, $0x3  }
0xf: {  	s17 =	sadd.s32 $0x2, s18;
	s9 =	sshrl.u32 s9, $0x8;
	s8 =	sadd.s32 s0, s8  }
0x10: {  	s11 =	sshrl.u32 s11, $0x3;
	s9 =	smul.u32 $0x14, s9;
	s1 =	sshrl.u32 s26, $0x8  }
0x11: {  	s19 =	smax.u32 s5, $0x1;
	s0 =	sadd.s32 s0, s11;
	s1 =	smul.u32 $0x14, s1  }
0x12: {  	s26 =	simm.s32 $0x200;
	s11 =	sadd.s32 $0xEA6, s0;
	s9 =	ssub.s32 s18, s9  }
.Ltmp0:
0x13: {  	s28 =	sand.u32 $0xFE, s9;
	s1 =	ssub.s32 s10, s1;
	(pc) =	sbr.rel .LBB2_1-.Ltmp0, $4  }
0x14: {  	v4 =	vimm.f32 $0.0e+00;
	s18 =	sadd.s32 $0x3, s18;
	s14 =	smul.u32 $0x3E8, s28;
	s1 =	sand.u32 $0xFF, s1  }
0x15: {  	v5 =	vimm.s32 $0x4;
	v6 =	vimm.s32 $0x0;
	v7 =	vimm.s32 $0x1;
	s9 =	sadd.s32 $0x4E2, s0;
	s10 =	sadd.s32 $0x9C4, s0;
	s29 =	smul.u32 $0x3E8, s1  }
0x16: {  	v8 =	vimm.s32 $0x2;
	v9 =	vimm.s32 $0x3;
	v0 =	vmov s12;
	s0 =	simm.s32 $0x1;
	s1 =	simm.s32 $0x9E80;
	s13 =	sadd.s32 s4, s14  }
0x17: {  	v1 =	vor.u32 $0x1, v0;
	v2 =	vor.u32 $0x2, v0;
	v3 =	vor.u32 $0x3, v0;
	s14 =	sadd.s32 s2, s14;
	s15 =	sadd.s32 s4, s29;
	s16 =	sadd.s32 s2, s29  }
.LBB2_22:
0x18: {  	s25 =	sadd.s32 $0x1, s25  }
0x19: {  	p0 =	sne.s32 s25, s19  }
.Ltmp1:
0x1a: {  	s5 =	rddreg [dreg:$0x6];
	s6 =	simm.s32 $0x4;
	(pc) =	sbr.rel @!p0 .LBB2_23-.Ltmp1, $4  }
0x1b: {  	[hbm4b:s5+s6] =	stream.indirect.scatter [tilespmem:s1], [sflag:$0x1], $0x2710, s12, s6, $0xb8;
	[tilespmem:$0x1B7C0] =	vst v63  }
0x1c: {  	_ =	swait.ge [sflag:s0], $0x9C40  }
0x1d: {  	[sflag:s0] =	ssyncset.done $0x0  }
0x1e: {  	[sflag:s0] =	ssyncadd.s32 $0xFFFF63C0  }
.LBB2_1:
0x1f: {  	s5 =	rddreg [dreg:$0x4]  }
0x20: {  	[tilespmem:s3], [sflag:$0x3] =	stream.linear.gather [hbm4b:s5+s3], $0x100, $0x38;
	[tilespmem:$0x1B7C0] =	vst v63  }
0x21: {  	_ =	swait.ge [sflag:s20], $0x100  }
0x22: {  	[sflag:s20] =	ssyncset.done $0x0  }
0x23: {  	s7 =	rddreg [dreg:$0x5];
	[sflag:s20] =	ssyncadd.s32 $0xFFFFFF00  }
0x24: {  	[tilespmem:s21], [sflag:$0x3] =	stream.linear.gather [hbm4b:s7+s3], $0x100, $0x38;
	[tilespmem:$0x1B7C0] =	vst v63  }
0x25: {  	_ =	swait.ge [sflag:s20], $0x100  }
0x26: {  	[sflag:s20] =	ssyncset.done $0x0  }
0x27: {  	[sflag:s20] =	ssyncadd.s32 $0xFFFFFF00  }
0x28: {  	[tilespmem:s22], [sflag:$0x3] =	stream.linear.gather [hbm4b:s8+s3], $0x2710, $0x38;
	[tilespmem:$0x1B7C0] =	vst v63  }
0x29: {  	_ =	swait.ge [sflag:s20], $0x2710  }
0x2a: {  	[sflag:s20] =	ssyncset.done $0x0  }
0x2b: {  	s24 =	simm.s32 $0x2950;
	[sflag:s20] =	ssyncadd.s32 $0xFFFFD8F0  }
0x2c: {  	[tilespmem:s24], [sflag:$0x3] =	stream.linear.gather [hbm4b:s9+s3], $0x2710, $0x38;
	[tilespmem:$0x1B7C0] =	vst v63  }
0x2d: {  	_ =	swait.ge [sflag:s20], $0x2710  }
0x2e: {  	[sflag:s20] =	ssyncset.done $0x0  }
0x2f: {  	s28 =	simm.s32 $0x5060;
	[sflag:s20] =	ssyncadd.s32 $0xFFFFD8F0  }
0x30: {  	[tilespmem:s28], [sflag:$0x3] =	stream.linear.gather [hbm4b:s10+s3], $0x2710, $0x38;
	[tilespmem:$0x1B7C0] =	vst v63  }
0x31: {  	_ =	swait.ge [sflag:s20], $0x2710  }
0x32: {  	[sflag:s20] =	ssyncset.done $0x0  }
0x33: {  	s29 =	simm.s32 $0x7770;
	[sflag:s20] =	ssyncadd.s32 $0xFFFFD8F0  }
0x34: {  	[tilespmem:s29], [sflag:$0x3] =	stream.linear.gather [hbm4b:s11+s3], $0x2710, $0x38;
	[tilespmem:$0x1B7C0] =	vst v63  }
0x35: {  	_ =	swait.ge [sflag:s20], $0x2710  }
0x36: {  	[sflag:s20] =	ssyncset.done $0x0  }
0x37: {  	s6 =	simm.s32 $0x40;
	s5 =	simm.s32 $0x0;
	[sflag:s20] =	ssyncadd.s32 $0xFFFFD8F0  }
.LBB2_2:
0x38: {  	p0 =	sne.s32 s6, $0x9C00;
	[tilespmem:s5+$0x113B0] =	vst v4;
	s24 =	smov.u32 s6;
	s6 =	sadd.s32 $0x40, s6  }
.Ltmp2:
0x39: {  	[tilespmem:s5+$0xECA0] =	vst v4;
	(pc) =	sbr.rel @p0 .LBB2_2-.Ltmp2, $3  }
0x3a: {  	[tilespmem:s5+$0x9E80] =	vst v4  }
0x3b: {  	[tilespmem:s5+$0xC590] =	vst v4;
	_ =	sdelay $0x1  }
0x3c: {  	s5 =	sshra.s32 s24, $0x2  }
0x3d: {  	[tilespmem:s5+$0x113B0] =	vst v4  }
0x3e: {  	[tilespmem:s5+$0xECA0] =	vst v4  }
0x3f: {  	[tilespmem:s5+$0x9E80] =	vst v4  }
0x40: {  	[tilespmem:s5+$0xC590] =	vst v4  }
0x41: {  	v10 =	vld.idx.msk [tilespmem:v0+s21+$0x0], $0xffff  }
0x42: {  	v11 =	vld.idx.msk [tilespmem:v1+s21+$0x0], $0xffff  }
0x43: {  	v12 =	vld.idx.msk [tilespmem:v2+s21+$0x0], $0xffff;
	_ =	sdelay $0x1  }
0x44: {  	v13 =	vld.idx.msk [tilespmem:v3+s21+$0x0], $0xffff;
	_ =	sdelay $0x2  }
0x45: {  	vm0 =	veq.s32 v10, v11;
	vm1 =	veq.s32 v10, v12  }
0x46: {  	vm12 =	veq.s32 v11, v12;
	v14 =	vsel vm0, $0x1, v6;
	v15 =	vsel vm1, $0x1, v6  }
0x47: {  	vm13 =	veq.s32 v10, v13;
	v14 =	vadd.s32 v14, v15;
	v15 =	vsel vm12, $0x1, v6  }
0x48: {  	vm14 =	veq.s32 v11, v13;
	v16 =	vsel vm13, $0x1, v6;
	v14 =	vadd.s32 v15, v14  }
0x49: {  	vm15 =	veq.s32 v12, v13;
	v15 =	vsel vm14, $0x1, v6;
	v14 =	vadd.s32 v16, v14  }
0x4a: {  	v63 =	vsel vm15, $0x1, v6;
	v14 =	vadd.s32 v15, v14  }
0x4b: {  	v14 =	vadd.s32 v63, v14  }
0x4c: {  	(xrf0) =	vadd.scan.msk.s32 $0xffff, v14;
	_ =	sdelay $0x5  }
0x4d: {  	v14, _, _ =	vpop (xrf0)  }
0x4e: {  	(v2sf) =	vpush v14, $0xF;
	_ =	sdelay $0x3  }
0x4f: {  	[tilespmem:$0x200] =	vst v5  }
0x50: {  	[tilespmem:$0x210] =	vst v5  }
0x51: {  	[tilespmem:$0x220] =	vst v5  }
0x52: {  	[tilespmem:$0x230] =	vst v5  }
0x53: {  	[tilespmem:v10+s26+$0x0] =	vst.idx.msk $0x1, v6  }
0x54: {  	[tilespmem:v11+s26+$0x0] =	vst.idx.msk $0x1, v7  }
0x55: {  	[tilespmem:v12+s26+$0x0] =	vst.idx.msk $0x1, v8  }
0x56: {  	s28 =	simm.s32 $0x0;
	s7 =	simm.s32 $0x13AC0;
	[tilespmem:v13+s26+$0x0] =	vst.idx.msk $0x1, v9  }
0x57: {  	[tilespmem:s7], [sflag:$0x1] =	stream.linear.gather [hbm4b:s13+s28], $0x1F40, $0x38;
	[tilespmem:$0x1B7C0] =	vst v63  }
0x58: {  	s24 =	simm.s32 $0x15A00  }
0x59: {  	[tilespmem:s24], [sflag:$0x1] =	stream.linear.gather [hbm4b:s14+s28], $0x1F40, $0x38;
	[tilespmem:$0x1B7C0] =	vst v63  }
0x5a: {  	s29 =	spop (v2sf)  }
0x5b: {  	p0 =	sgt.s32 s29, $0x0  }
.Ltmp3:
0x5c: {  	_ = 	snop;
	(pc) =	sbr.rel @p0 .LBB2_15-.Ltmp3, $4  }
.Ltmp4:
0x5d: {  	_ = 	snop;
	(pc) =	sbr.rel @!p0 .LBB2_4-.Ltmp4, $4  }
0x5e: {  	[tilespmem:s30], [sflag:$0x2] =	stream.linear.gather [hbm4b:s15+s28], $0x1F40, $0x38;
	[tilespmem:$0x1B7C0] =	vst v63  }
0x5f: {  	_ = 	snop  }
0x60: {  	[tilespmem:s31], [sflag:$0x2] =	stream.linear.gather [hbm4b:s16+s28], $0x1F40, $0x38;
	[tilespmem:$0x1B7C0] =	vst v63  }
0x61: {  	_ = 	snop  }
.LBB2_13:
0x62: {  	s5 =	sshll.u32 s28, $0x1  }
0x63: {  	s5 =	sadd.s32 s5, s18  }
0x64: {  	s6 =	smulhi.u32 $0x66666667, s5;
	_ =	sdelay $0x1  }
0x65: {  	s6 =	sshrl.u32 s6, $0x3  }
0x66: {  	s6 =	smul.u32 $0x14, s6;
	_ =	sdelay $0x1  }
0x67: {  	s5 =	ssub.s32 s5, s6  }
0x68: {  	s5 =	smul.u32 $0x3E8, s5;
	_ =	sdelay $0x1  }
0x69: {  	s24 =	sadd.s32 s4, s5  }
0x6a: {  	[tilespmem:s30], [sflag:$0x2] =	stream.linear.gather [hbm4b:s24+s3], $0x1F40, $0x38;
	[tilespmem:$0x1B7C0] =	vst v63  }
0x6b: {  	s28 =	sadd.s32 $0x1, s28;
	s5 =	sadd.s32 s2, s5  }
0x6c: {  	[tilespmem:s31], [sflag:$0x2] =	stream.linear.gather [hbm4b:s5+s3], $0x1F40, $0x38;
	[tilespmem:$0x1B7C0] =	vst v63  }
.LBB2_4:
0x6d: {  	_ =	swait.ge [sflag:s0], $0x1F40  }
0x6e: {  	[sflag:s0] =	ssyncset.done $0x0  }
0x6f: {  	[sflag:s0] =	ssyncadd.s32 $0xFFFFE0C0  }
0x70: {  	_ =	swait.ge [sflag:s0], $0x1F40  }
0x71: {  	[sflag:s0] =	ssyncset.done $0x0  }
0x72: {  	s24 =	simm.s32 $0x13B00;
	[sflag:s0] =	ssyncadd.s32 $0xFFFFE0C0  }
0x73: {  	v18 =	vld [tilespmem:s24+$0xFFFFFFE0]  }
0x74: {  	v19 =	vld [tilespmem:s24+$0xFFFFFFF0]  }
0x75: {  	v20 =	vld [tilespmem:s24+$0xFFFFFFD0]  }
0x76: {  	v22 =	vld [tilespmem:s24+$0xFFFFFFC0]  }
0x77: {  	v17 =	vld [tilespmem:s24+$0x20]  }
0x78: {  	v24 =	vld [tilespmem:s24+$0x0]  }
0x79: {  	v14 =	vld [tilespmem:s24+$0x30];
	v16 =	vshrl.u32 v18, $0x10  }
0x7a: {  	v37 =	vld [tilespmem:s24+$0x10];
	v23 =	vshrl.u32 v20, $0x10  }
0x7b: {  	s6 =	simm.s32 $0x15A40;
	v25 =	vshrl.u32 v22, $0x10  }
0x7c: {  	v15 =	vld [tilespmem:s6+$0x10];
	v21 =	vshrl.u32 v19, $0x10  }
0x7d: {  	v31 =	vld [tilespmem:s6+$0xFFFFFFF0];
	v29 =	vshrl.u32 v24, $0x10  }
0x7e: {  	v26 =	vshrl.u32 v17, $0x10;
	v32 =	vshrl.u32 v14, $0x10;
	v28 =	vld.idx.msk [tilespmem:v16+s26+$0x0], $0xffff  }
0x7f: {  	v35 =	vand.u32 $0x7, v20;
	v38 =	vand.u32 $0x7, v19;
	v34 =	vshrl.u32 v37, $0x10;
	v33 =	vld.idx.msk [tilespmem:v23+s26+$0x0], $0xffff  }
0x80: {  	v36 =	vand.u32 $0xFFF8, v20;
	v19 =	vand.u32 $0xFFF8, v19;
	v39 =	vand.u32 $0x7, v22;
	v25 =	vld.idx.msk [tilespmem:v25+s26+$0x0], $0xffff  }
0x81: {  	v40 =	vand.u32 $0x7, v18;
	v22 =	vand.u32 $0xFFF8, v22;
	v18 =	vand.u32 $0xFFF8, v18;
	v30 =	vld.idx.msk [tilespmem:v21+s26+$0x0], $0xffff  }
0x82: {  	v44 =	vand.u32 $0xFFF8, v24;
	v45 =	vand.u32 $0x7, v24;
	v43 =	vand.u32 $0xFFFFFFF8, v31;
	v41 =	vld.idx.msk [tilespmem:v29+s26+$0x0], $0xffff  }
0x83: {  	v21 =	vand.u32 $0x7, v37;
	v16 =	vand.u32 $0xFFFFFFF8, v15;
	v15 =	vand.u32 $0x7, v15;
	v27 =	vld.idx.msk [tilespmem:v26+s26+$0x0], $0xffff  }
0x84: {  	v26 =	vand.u32 $0xFFF8, v17;
	v23 =	vld [tilespmem:s6+$0xFFFFFFC0];
	v20 =	vmul.u32 $0x2710, v28;
	v29 =	vmul.u32 $0x2710, v33  }
0x85: {  	v46 =	vld.idx.msk [tilespmem:v34+s26+$0x0], $0xffff;
	vm0 =	vne.s32 v28, $0x4;
	vm1 =	vne.s32 v33, $0x4;
	vm3 =	vne.s32 v25, $0x4  }
0x86: {  	v24 =	vld [tilespmem:s6+$0x0];
	v34 =	vmul.u32 $0x2710, v25;
	vm5 =	vne.s32 v30, $0x4;
	v18 =	vadd.s32 v18, v20  }
0x87: {  	v28 =	vld [tilespmem:s6+$0x20];
	v33 =	vmul.u32 $0x2710, v41;
	v25 =	vadd.s32 v36, v29;
	v18 =	vor.u32 v40, v18  }
0x88: {  	v62 =	vadd.s32 v22, v34;
	v22 =	vld [tilespmem:s6+$0xFFFFFFD0];
	v40 =	vmul.u32 $0x2710, v30;
	v36 =	vor.u32 v35, v25  }
0x89: {  	v32 =	vld.idx.msk [tilespmem:v32+s26+$0x0], $0xffff;
	vm2 =	vne.s32 v41, $0x4;
	v42 =	vand.u32 $0xFFFFFFF8, v23;
	v39 =	vor.u32 v39, v62  }
0x8a: {  	vm4 =	vne.s32 v46, $0x4;
	v63 =	vadd.s32 v44, v33;
	v25 =	vadd.s32 v19, v40;
	v19 =	vld [tilespmem:s6+$0x30]  }
0x8b: {  	v44 =	vand.u32 $0xFFF8, v37;
	v35 =	vmul.u32 $0x2710, v46;
	v41 =	vor.u32 v38, v25;
	v25 =	vld [tilespmem:s6+$0xFFFFFFE0]  }
0x8c: {  	s5 =	simm.s32 $0x0;
	v30 =	vmul.u32 $0x2710, v27;
	v37 =	vand.u32 $0xFFFFFFF8, v28;
	v38 =	vor.u32 v45, v63;
	s6 =	simm.s32 $0x15AC0;
	v18 =	vld.idx.msk [tilespmem:v18+s22+$0x0], vm0  }
.LBB2_5:
0x8d: {  	s5 =	sadd.s32 $0x8, s5;
	v36 =	vld.idx.msk [tilespmem:v36+s22+$0x0], vm1;
	v45 =	vand.u32 $0xFFFFFFF8, v22;
	v40 =	vadd.s32 v43, v40;
	v43 =	vadd.s32 v44, v35;
	s24 =	sadd.s32 $0x80, s24  }
0x8e: {  	v34 =	vadd.s32 v42, v34;
	v42 =	vand.u32 $0xFFFFFFF8, v24;
	p0 =	slt.u32 s5, $0x1E8;
	v39 =	vld.idx.msk [tilespmem:v39+s22+$0x0], vm3;
	v21 =	vor.u32 v21, v43  }
0x8f: {  	vm6 =	vne.s32 v27, $0x4;
	v17 =	vand.u32 $0x7, v17;
	v26 =	vadd.s32 v26, v30;
	v43 =	vld [tilespmem:s6+$0x10]  }
0x90: {  	v31 =	vand.u32 $0x7, v31;
	v27 =	vadd.s32 v45, v29;
	v17 =	vor.u32 v17, v26;
	v29 =	vld.idx.msk [tilespmem:v41+s22+$0x0], vm5  }
0x91: {  	v31 =	vor.u32 v31, v40;
	v33 =	vadd.s32 v42, v33;
	v26 =	vand.u32 $0xFFFFFFF8, v25;
	v38 =	vld.idx.msk [tilespmem:v38+s22+$0x0], vm2  }
0x92: {  	v40 =	vld [tilespmem:s24+$0xFFFFFFD0];
	v20 =	vadd.s32 v26, v20  }
0x93: {  	v16 =	vadd.s32 v16, v35;
	v41 =	vld [tilespmem:s24+$0xFFFFFFE0]  }
0x94: {  	v23 =	vand.u32 $0x7, v23;
	v15 =	vor.u32 v15, v16;
	v26 =	vld [tilespmem:s24+$0xFFFFFFF0]  }
0x95: {  	v16 =	vor.u32 v23, v34;
	v23 =	vld.idx.msk [tilespmem:v17+s22+$0x0], vm6  }
0x96: {  	[tilespmem:v31+s1+$0x0] =	vst.idx.add.f32.msk vm5, v29  }
0x97: {  	v17 =	vand.u32 $0x7, v28;
	v28 =	vadd.s32 v37, v30;
	v29 =	vld [tilespmem:s24+$0xFFFFFFC0]  }
0x98: {  	v24 =	vand.u32 $0x7, v24;
	v28 =	vor.u32 v17, v28;
	v30 =	vld [tilespmem:s24+$0x30]  }
0x99: {  	v24 =	vor.u32 v24, v33;
	v31 =	vmul.u32 $0x2710, v32;
	v21 =	vld.idx.msk [tilespmem:v21+s22+$0x0], vm4  }
0x9a: {  	v33 =	vshrl.u32 v26, $0x10;
	[tilespmem:v16+s1+$0x0] =	vst.idx.add.f32.msk vm3, v39;
	v16 =	vand.u32 $0xFFF8, v14;
	v14 =	vand.u32 $0x7, v14  }
0x9b: {  	v34 =	vshrl.u32 v41, $0x10;
	vm3 =	vne.s32 v32, $0x4;
	v35 =	vld [tilespmem:s24+$0x0];
	v16 =	vadd.s32 v16, v31  }
0x9c: {  	v32 =	vshrl.u32 v40, $0x10;
	v17 =	vld [tilespmem:s24+$0x20];
	v16 =	vor.u32 v14, v16  }
0x9d: {  	v22 =	vand.u32 $0x7, v22;
	[tilespmem:v28+s1+$0x0] =	vst.idx.add.f32.msk vm6, v23;
	v14 =	vmov v30  }
0x9e: {  	v22 =	vor.u32 v22, v27;
	[tilespmem:v24+s1+$0x0] =	vst.idx.add.f32.msk vm2, v38  }
0x9f: {  	v23 =	vshrl.u32 v29, $0x10;
	v24 =	vand.u32 $0x7, v25;
	v37 =	vld [tilespmem:s24+$0x10]  }
0xa0: {  	v38 =	vshrl.u32 v14, $0x10;
	v20 =	vor.u32 v24, v20;
	v24 =	vand.u32 $0xFFFFFFF8, v19;
	v25 =	vld.idx.msk [tilespmem:v34+s26+$0x0], $0xffff  }
0xa1: {  	v28 =	vshrl.u32 v35, $0x10;
	v27 =	vld.idx.msk [tilespmem:v16+s22+$0x0], vm3;
	v16 =	vand.u32 $0x7, v19;
	v19 =	vadd.s32 v24, v31  }
0xa2: {  	v24 =	vshrl.u32 v17, $0x10;
	[tilespmem:v15+s1+$0x0] =	vst.idx.add.f32.msk vm4, v21;
	v19 =	vor.u32 v16, v19  }
0xa3: {  	[tilespmem:v22+s1+$0x0] =	vst.idx.add.f32.msk vm1, v36  }
0xa4: {  	v16 =	vand.u32 $0xFFFFFFF8, v43;
	v15 =	vand.u32 $0x7, v43;
	v22 =	vld.idx.msk [tilespmem:v33+s26+$0x0], $0xffff;
	v21 =	vand.u32 $0x7, v37  }
0xa5: {  	[tilespmem:v20+s1+$0x0] =	vst.idx.add.f32.msk vm0, v18  }
0xa6: {  	v18 =	vld.idx.msk [tilespmem:v32+s26+$0x0], $0xffff  }
0xa7: {  	[tilespmem:v19+s1+$0x0] =	vst.idx.add.f32.msk vm3, v27  }
0xa8: {  	v43 =	vand.u32 $0x7, v26;
	v30 =	vshrl.u32 v37, $0x10;
	v32 =	vand.u32 $0x7, v40;
	v19 =	vld.idx.msk [tilespmem:v23+s26+$0x0], $0xffff  }
0xa9: {  	v42 =	vand.u32 $0xFFF8, v26;
	v26 =	vand.u32 $0xFFF8, v17;
	v33 =	vand.u32 $0xFFF8, v40;
	v27 =	vld.idx.msk [tilespmem:v24+s26+$0x0], $0xffff  }
0xaa: {  	v39 =	vand.u32 $0x7, v29;
	v20 =	vmul.u32 $0x2710, v25;
	v24 =	vand.u32 $0x7, v41;
	v44 =	vld.idx.msk [tilespmem:v28+s26+$0x0], $0xffff  }
0xab: {  	v45 =	vand.u32 $0xFFF8, v35;
	v36 =	vand.u32 $0xFFF8, v29;
	v28 =	vand.u32 $0xFFF8, v41;
	v23 =	vld [tilespmem:s6+$0xFFFFFFC0]  }
0xac: {  	vm0 =	vne.s32 v25, $0x4;
	v29 =	vmul.u32 $0x2710, v18;
	v25 =	vadd.s32 v28, v20;
	v31 =	vld [tilespmem:s6+$0xFFFFFFF0]  }
0xad: {  	v46 =	vand.u32 $0x7, v35;
	vm1 =	vne.s32 v18, $0x4;
	v18 =	vor.u32 v24, v25;
	v25 =	vld.idx.msk [tilespmem:v30+s26+$0x0], $0xffff  }
0xae: {  	vm5 =	vne.s32 v22, $0x4;
	vm3 =	vne.s32 v19, $0x4;
	v34 =	vmul.u32 $0x2710, v19;
	v28 =	vld [tilespmem:s6+$0x20]  }
0xaf: {  	v40 =	vmul.u32 $0x2710, v22;
	v19 =	vadd.s32 v33, v29;
	v30 =	vmul.u32 $0x2710, v27;
	v24 =	vld [tilespmem:s6+$0x0]  }
.Ltmp5:
0xb0: {  	v33 =	vadd.s32 v36, v34;
	v36 =	vor.u32 v32, v19;
	vm2 =	vne.s32 v44, $0x4;
	v22 =	vld [tilespmem:s6+$0xFFFFFFD0];
	(pc) =	sbr.rel @p0 .LBB2_5-.Ltmp5, $4  }
0xb1: {  	v32 =	vadd.s32 v42, v40;
	v39 =	vor.u32 v39, v33;
	v33 =	vmul.u32 $0x2710, v44;
	v19 =	vld [tilespmem:s6+$0x30]  }
0xb2: {  	v42 =	vand.u32 $0xFFFFFFF8, v23;
	v41 =	vor.u32 v43, v32;
	v43 =	vand.u32 $0xFFFFFFF8, v31;
	v18 =	vld.idx.msk [tilespmem:v18+s22+$0x0], vm0  }
0xb3: {  	v44 =	vadd.s32 v45, v33;
	vm4 =	vne.s32 v25, $0x4;
	v35 =	vmul.u32 $0x2710, v25;
	v32 =	vld.idx.msk [tilespmem:v38+s26+$0x0], $0xffff  }
0xb4: {  	v38 =	vor.u32 v46, v44;
	v44 =	vand.u32 $0xFFF8, v37;
	v37 =	vand.u32 $0xFFFFFFF8, v28;
	v25 =	vld [tilespmem:s6+$0xFFFFFFE0];
	s6 =	sadd.s32 $0x80, s6  }
0xb5: {  	_ = 	snop  }
0xb6: {  	vm6 =	vne.s32 v27, $0x4;
	v17 =	vand.u32 $0x7, v17  }
0xb7: {  	v26 =	vadd.s32 v26, v30;
	v61 =	vadd.s32 v43, v40;
	v31 =	vand.u32 $0x7, v31  }
0xb8: {  	v62 =	vand.u32 $0xFFFFFFF8, v22;
	v45 =	vadd.s32 v44, v35;
	v34 =	vadd.s32 v42, v34  }
0xb9: {  	v46 =	vand.u32 $0xFFFFFFF8, v24;
	v23 =	vand.u32 $0x7, v23;
	v17 =	vor.u32 v17, v26  }
0xba: {  	v63 =	vld.idx.msk [tilespmem:v41+s22+$0x0], vm5;
	v28 =	vand.u32 $0x7, v28;
	v50 =	vand.u32 $0xFFF8, v14;
	v27 =	vor.u32 v31, v61  }
0xbb: {  	v47 =	vld.idx.msk [tilespmem:v39+s22+$0x0], vm3;
	v14 =	vand.u32 $0x7, v14;
	v21 =	vor.u32 v21, v45;
	v49 =	vmul.u32 $0x2710, v32  }
0xbc: {  	v52 =	vld.idx.msk [tilespmem:v36+s22+$0x0], vm1;
	v54 =	vand.u32 $0x7, v24;
	v23 =	vor.u32 v23, v34;
	v53 =	vadd.s32 v46, v33  }
0xbd: {  	v56 =	vld.idx.msk [tilespmem:v38+s22+$0x0], vm2;
	v24 =	vor.u32 v54, v53;
	vm15 =	vne.s32 v32, $0x4;
	v51 =	vadd.s32 v50, v49  }
0xbe: {  	v48 =	vadd.s32 v37, v30;
	v16 =	vadd.s32 v16, v35;
	v17 =	vld.idx.msk [tilespmem:v17+s22+$0x0], vm6;
	v14 =	vor.u32 v14, v51  }
0xbf: {  	v58 =	vand.u32 $0x7, v22;
	v26 =	vadd.s32 v62, v29;
	v28 =	vor.u32 v28, v48;
	[tilespmem:v27+s1+$0x0] =	vst.idx.add.f32.msk vm5, v63  }
0xc0: {  	v15 =	vor.u32 v15, v16;
	v60 =	vand.u32 $0xFFFFFFF8, v19;
	v55 =	vand.u32 $0xFFFFFFF8, v25;
	v57 =	vld.idx.msk [tilespmem:v21+s22+$0x0], vm4  }
0xc1: {  	v59 =	vand.u32 $0x7, v25;
	v20 =	vadd.s32 v55, v20;
	[tilespmem:v23+s1+$0x0] =	vst.idx.add.f32.msk vm3, v47;
	v21 =	vor.u32 v58, v26  }
0xc2: {  	v62 =	vand.u32 $0x7, v19;
	v61 =	vor.u32 v59, v20;
	v63 =	vadd.s32 v60, v49;
	[tilespmem:v24+s1+$0x0] =	vst.idx.add.f32.msk vm2, v56  }
0xc3: {  	v19 =	vor.u32 v62, v63;
	v14 =	vld.idx.msk [tilespmem:v14+s22+$0x0], vm15  }
0xc4: {  	[tilespmem:v28+s1+$0x0] =	vst.idx.add.f32.msk vm6, v17  }
0xc5: {  	[tilespmem:v15+s1+$0x0] =	vst.idx.add.f32.msk vm4, v57  }
0xc6: {  	[tilespmem:v21+s1+$0x0] =	vst.idx.add.f32.msk vm1, v52  }
0xc7: {  	[tilespmem:v61+s1+$0x0] =	vst.idx.add.f32.msk vm0, v18  }
0xc8: {  	s5 =	simm.s32 $0x0;
	[tilespmem:v19+s1+$0x0] =	vst.idx.add.f32.msk vm15, v14  }
.LBB2_7:
0xc9: {  	s6 =	sshra.s32 s5, $0x2  }
0xca: {  	v14 =	vld [tilespmem:s6+$0x159C0];
	_ =	sdelay $0x4  }
0xcb: {  	v15 =	vshrl.u32 v14, $0x10;
	_ =	sdelay $0x4  }
0xcc: {  	v15 =	vld.idx.msk [tilespmem:v15+s26+$0x0], $0xffff;
	_ =	sdelay $0x4  }
0xcd: {  	v16 =	vmul.u32 $0x2710, v15  }
0xce: {  	v17 =	vld [tilespmem:s6+$0x17900];
	v18 =	vand.u32 $0xFFF8, v14  }
0xcf: {  	v14 =	vand.u32 $0x7, v14;
	vm0 =	vne.s32 v15, $0x4;
	v15 =	vadd.s32 v18, v16  }
0xd0: {  	v14 =	vor.u32 v14, v15;
	_ =	sdelay $0x2  }
0xd1: {  	v15 =	vand.u32 $0xFFFFFFF8, v17  }
0xd2: {  	v17 =	vand.u32 $0x7, v17;
	v15 =	vadd.s32 v15, v16  }
0xd3: {  	p0 =	sne.s32 s5, $0xC0;
	v15 =	vor.u32 v17, v15;
	v14 =	vld.idx.msk [tilespmem:v14+s22+$0x0], vm0  }
.Ltmp6:
0xd4: {  	_ = 	snop;
	(pc) =	sbr.rel @p0 .LBB2_7-.Ltmp6, $2  }
0xd5: {  	_ =	sdelay $0x2  }
0xd6: {  	s5 =	sadd.s32 $0x40, s5;
	[tilespmem:v15+s1+$0x0] =	vst.idx.add.f32.msk vm0, v14  }
0xd7: {  	p0 =	seq.s32 s28, $0x9  }
0xd8: {  	s5 =	sshll.u32 @!p0 s28, $0x1  }
0xd9: {  	s5 =	sadd.s32 @!p0 s5, s17  }
0xda: {  	s6 =	smulhi.u32 @!p0 $0x66666667, s5;
	_ =	sdelay $0x1  }
0xdb: {  	s6 =	sshrl.u32 @!p0 s6, $0x3  }
0xdc: {  	s6 =	smul.u32 @!p0 $0x14, s6;
	_ =	sdelay $0x1  }
0xdd: {  	s5 =	ssub.s32 @!p0 s5, s6  }
0xde: {  	s5 =	smul.u32 @!p0 $0x3E8, s5;
	_ =	sdelay $0x1  }
0xdf: {  	s24 =	simm.s32 @!p0 $0x0;
	s7 =	simm.s32 @!p0 $0x13AC0;
	s6 =	sadd.s32 @!p0 s4, s5  }
0xe0: {  	[tilespmem:s7], [sflag:$0x1] =	stream.linear.gather @!p0 [hbm4b:s6+s24], $0x1F40, $0x38;
	[tilespmem:$0x1B7C0] =	vst v63  }
0xe1: {  	s5 =	sadd.s32 @!p0 s2, s5;
	s6 =	simm.s32 @!p0 $0x15A00  }
0xe2: {  	[tilespmem:s6], [sflag:$0x1] =	stream.linear.gather @!p0 [hbm4b:s5+s24], $0x1F40, $0x38;
	[tilespmem:$0x1B7C0] =	vst v63  }
0xe3: {  	_ =	swait.ge [sflag:s23], $0x1F40  }
0xe4: {  	[sflag:s23] =	ssyncset.done $0x0  }
0xe5: {  	[sflag:s23] =	ssyncadd.s32 $0xFFFFE0C0  }
0xe6: {  	_ =	swait.ge [sflag:s23], $0x1F40  }
0xe7: {  	[sflag:s23] =	ssyncset.done $0x0  }
0xe8: {  	s24 =	simm.s32 $0x17980;
	[sflag:s23] =	ssyncadd.s32 $0xFFFFE0C0  }
0xe9: {  	v18 =	vld [tilespmem:s24+$0xFFFFFFE0]  }
0xea: {  	v19 =	vld [tilespmem:s24+$0xFFFFFFF0]  }
0xeb: {  	v20 =	vld [tilespmem:s24+$0xFFFFFFD0]  }
0xec: {  	v22 =	vld [tilespmem:s24+$0xFFFFFFC0]  }
0xed: {  	v17 =	vld [tilespmem:s24+$0x20]  }
0xee: {  	v24 =	vld [tilespmem:s24+$0x0]  }
0xef: {  	v14 =	vld [tilespmem:s24+$0x30];
	v16 =	vshrl.u32 v18, $0x10  }
0xf0: {  	v37 =	vld [tilespmem:s24+$0x10];
	v23 =	vshrl.u32 v20, $0x10  }
0xf1: {  	s7 =	simm.s32 $0x198C0;
	v25 =	vshrl.u32 v22, $0x10  }
0xf2: {  	v15 =	vld [tilespmem:s7+$0x10];
	v21 =	vshrl.u32 v19, $0x10  }
0xf3: {  	v31 =	vld [tilespmem:s7+$0xFFFFFFF0];
	v29 =	vshrl.u32 v24, $0x10  }
0xf4: {  	v26 =	vshrl.u32 v17, $0x10;
	v32 =	vshrl.u32 v14, $0x10;
	v28 =	vld.idx.msk [tilespmem:v16+s26+$0x0], $0xffff  }
0xf5: {  	v35 =	vand.u32 $0x7, v20;
	v38 =	vand.u32 $0x7, v19;
	v34 =	vshrl.u32 v37, $0x10;
	v33 =	vld.idx.msk [tilespmem:v23+s26+$0x0], $0xffff  }
0xf6: {  	v36 =	vand.u32 $0xFFF8, v20;
	v19 =	vand.u32 $0xFFF8, v19;
	v39 =	vand.u32 $0x7, v22;
	v25 =	vld.idx.msk [tilespmem:v25+s26+$0x0], $0xffff  }
0xf7: {  	v40 =	vand.u32 $0x7, v18;
	v22 =	vand.u32 $0xFFF8, v22;
	v18 =	vand.u32 $0xFFF8, v18;
	v30 =	vld.idx.msk [tilespmem:v21+s26+$0x0], $0xffff  }
0xf8: {  	v44 =	vand.u32 $0xFFF8, v24;
	v45 =	vand.u32 $0x7, v24;
	v43 =	vand.u32 $0xFFFFFFF8, v31;
	v41 =	vld.idx.msk [tilespmem:v29+s26+$0x0], $0xffff  }
0xf9: {  	v21 =	vand.u32 $0x7, v37;
	v16 =	vand.u32 $0xFFFFFFF8, v15;
	v15 =	vand.u32 $0x7, v15;
	v27 =	vld.idx.msk [tilespmem:v26+s26+$0x0], $0xffff  }
0xfa: {  	v26 =	vand.u32 $0xFFF8, v17;
	v23 =	vld [tilespmem:s7+$0xFFFFFFC0];
	v20 =	vmul.u32 $0x2710, v28;
	v29 =	vmul.u32 $0x2710, v33  }
0xfb: {  	v46 =	vld.idx.msk [tilespmem:v34+s26+$0x0], $0xffff;
	vm0 =	vne.s32 v28, $0x4;
	vm1 =	vne.s32 v33, $0x4;
	vm3 =	vne.s32 v25, $0x4  }
0xfc: {  	v24 =	vld [tilespmem:s7+$0x0];
	v34 =	vmul.u32 $0x2710, v25;
	vm5 =	vne.s32 v30, $0x4;
	v18 =	vadd.s32 v18, v20  }
0xfd: {  	v28 =	vld [tilespmem:s7+$0x20];
	v33 =	vmul.u32 $0x2710, v41;
	v25 =	vadd.s32 v36, v29;
	v18 =	vor.u32 v40, v18  }
0xfe: {  	v62 =	vadd.s32 v22, v34;
	v22 =	vld [tilespmem:s7+$0xFFFFFFD0];
	v40 =	vmul.u32 $0x2710, v30;
	v36 =	vor.u32 v35, v25  }
0xff: {  	v32 =	vld.idx.msk [tilespmem:v32+s26+$0x0], $0xffff;
	vm2 =	vne.s32 v41, $0x4;
	v42 =	vand.u32 $0xFFFFFFF8, v23;
	v39 =	vor.u32 v39, v62  }
0x100: {  	vm4 =	vne.s32 v46, $0x4;
	v63 =	vadd.s32 v44, v33;
	v25 =	vadd.s32 v19, v40;
	v19 =	vld [tilespmem:s7+$0x30]  }
0x101: {  	v44 =	vand.u32 $0xFFF8, v37;
	v35 =	vmul.u32 $0x2710, v46;
	v41 =	vor.u32 v38, v25;
	v25 =	vld [tilespmem:s7+$0xFFFFFFE0]  }
0x102: {  	s5 =	simm.s32 $0x0;
	s6 =	simm.s32 $0x19940;
	v30 =	vmul.u32 $0x2710, v27;
	v37 =	vand.u32 $0xFFFFFFF8, v28;
	v38 =	vor.u32 v45, v63;
	v18 =	vld.idx.msk [tilespmem:v18+s22+$0x0], vm0  }
.LBB2_9:
0x103: {  	s5 =	sadd.s32 $0x8, s5;
	v36 =	vld.idx.msk [tilespmem:v36+s22+$0x0], vm1;
	v45 =	vand.u32 $0xFFFFFFF8, v22;
	v40 =	vadd.s32 v43, v40;
	v43 =	vadd.s32 v44, v35;
	s24 =	sadd.s32 $0x80, s24  }
0x104: {  	v34 =	vadd.s32 v42, v34;
	v42 =	vand.u32 $0xFFFFFFF8, v24;
	p1 =	slt.u32 s5, $0x1E8;
	v39 =	vld.idx.msk [tilespmem:v39+s22+$0x0], vm3;
	v21 =	vor.u32 v21, v43  }
0x105: {  	vm6 =	vne.s32 v27, $0x4;
	v17 =	vand.u32 $0x7, v17;
	v26 =	vadd.s32 v26, v30;
	v43 =	vld [tilespmem:s6+$0x10]  }
0x106: {  	v31 =	vand.u32 $0x7, v31;
	v27 =	vadd.s32 v45, v29;
	v17 =	vor.u32 v17, v26;
	v29 =	vld.idx.msk [tilespmem:v41+s22+$0x0], vm5  }
0x107: {  	v31 =	vor.u32 v31, v40;
	v33 =	vadd.s32 v42, v33;
	v26 =	vand.u32 $0xFFFFFFF8, v25;
	v38 =	vld.idx.msk [tilespmem:v38+s22+$0x0], vm2  }
0x108: {  	v40 =	vld [tilespmem:s24+$0xFFFFFFD0];
	v20 =	vadd.s32 v26, v20  }
0x109: {  	v16 =	vadd.s32 v16, v35;
	v41 =	vld [tilespmem:s24+$0xFFFFFFE0]  }
0x10a: {  	v23 =	vand.u32 $0x7, v23;
	v15 =	vor.u32 v15, v16;
	v26 =	vld [tilespmem:s24+$0xFFFFFFF0]  }
0x10b: {  	v16 =	vor.u32 v23, v34;
	v23 =	vld.idx.msk [tilespmem:v17+s22+$0x0], vm6  }
0x10c: {  	[tilespmem:v31+s1+$0x0] =	vst.idx.add.f32.msk vm5, v29  }
0x10d: {  	v17 =	vand.u32 $0x7, v28;
	v28 =	vadd.s32 v37, v30;
	v29 =	vld [tilespmem:s24+$0xFFFFFFC0]  }
0x10e: {  	v24 =	vand.u32 $0x7, v24;
	v28 =	vor.u32 v17, v28;
	v30 =	vld [tilespmem:s24+$0x30]  }
0x10f: {  	v24 =	vor.u32 v24, v33;
	v31 =	vmul.u32 $0x2710, v32;
	v21 =	vld.idx.msk [tilespmem:v21+s22+$0x0], vm4  }
0x110: {  	v33 =	vshrl.u32 v26, $0x10;
	[tilespmem:v16+s1+$0x0] =	vst.idx.add.f32.msk vm3, v39;
	v16 =	vand.u32 $0xFFF8, v14;
	v14 =	vand.u32 $0x7, v14  }
0x111: {  	v34 =	vshrl.u32 v41, $0x10;
	vm3 =	vne.s32 v32, $0x4;
	v35 =	vld [tilespmem:s24+$0x0];
	v16 =	vadd.s32 v16, v31  }
0x112: {  	v32 =	vshrl.u32 v40, $0x10;
	v17 =	vld [tilespmem:s24+$0x20];
	v16 =	vor.u32 v14, v16  }
0x113: {  	v22 =	vand.u32 $0x7, v22;
	[tilespmem:v28+s1+$0x0] =	vst.idx.add.f32.msk vm6, v23;
	v14 =	vmov v30  }
0x114: {  	v22 =	vor.u32 v22, v27;
	[tilespmem:v24+s1+$0x0] =	vst.idx.add.f32.msk vm2, v38  }
0x115: {  	v23 =	vshrl.u32 v29, $0x10;
	v24 =	vand.u32 $0x7, v25;
	v37 =	vld [tilespmem:s24+$0x10]  }
0x116: {  	v38 =	vshrl.u32 v14, $0x10;
	v20 =	vor.u32 v24, v20;
	v24 =	vand.u32 $0xFFFFFFF8, v19;
	v25 =	vld.idx.msk [tilespmem:v34+s26+$0x0], $0xffff  }
0x117: {  	v28 =	vshrl.u32 v35, $0x10;
	v27 =	vld.idx.msk [tilespmem:v16+s22+$0x0], vm3;
	v16 =	vand.u32 $0x7, v19;
	v19 =	vadd.s32 v24, v31  }
0x118: {  	v24 =	vshrl.u32 v17, $0x10;
	[tilespmem:v15+s1+$0x0] =	vst.idx.add.f32.msk vm4, v21;
	v19 =	vor.u32 v16, v19  }
0x119: {  	[tilespmem:v22+s1+$0x0] =	vst.idx.add.f32.msk vm1, v36  }
0x11a: {  	v16 =	vand.u32 $0xFFFFFFF8, v43;
	v15 =	vand.u32 $0x7, v43;
	v22 =	vld.idx.msk [tilespmem:v33+s26+$0x0], $0xffff;
	v21 =	vand.u32 $0x7, v37  }
0x11b: {  	[tilespmem:v20+s1+$0x0] =	vst.idx.add.f32.msk vm0, v18  }
0x11c: {  	v18 =	vld.idx.msk [tilespmem:v32+s26+$0x0], $0xffff  }
0x11d: {  	[tilespmem:v19+s1+$0x0] =	vst.idx.add.f32.msk vm3, v27  }
0x11e: {  	v43 =	vand.u32 $0x7, v26;
	v30 =	vshrl.u32 v37, $0x10;
	v32 =	vand.u32 $0x7, v40;
	v19 =	vld.idx.msk [tilespmem:v23+s26+$0x0], $0xffff  }
0x11f: {  	v42 =	vand.u32 $0xFFF8, v26;
	v26 =	vand.u32 $0xFFF8, v17;
	v33 =	vand.u32 $0xFFF8, v40;
	v27 =	vld.idx.msk [tilespmem:v24+s26+$0x0], $0xffff  }
0x120: {  	v39 =	vand.u32 $0x7, v29;
	v20 =	vmul.u32 $0x2710, v25;
	v24 =	vand.u32 $0x7, v41;
	v44 =	vld.idx.msk [tilespmem:v28+s26+$0x0], $0xffff  }
0x121: {  	v45 =	vand.u32 $0xFFF8, v35;
	v36 =	vand.u32 $0xFFF8, v29;
	v28 =	vand.u32 $0xFFF8, v41;
	v23 =	vld [tilespmem:s6+$0xFFFFFFC0]  }
0x122: {  	vm0 =	vne.s32 v25, $0x4;
	v29 =	vmul.u32 $0x2710, v18;
	v25 =	vadd.s32 v28, v20;
	v31 =	vld [tilespmem:s6+$0xFFFFFFF0]  }
0x123: {  	v46 =	vand.u32 $0x7, v35;
	vm1 =	vne.s32 v18, $0x4;
	v18 =	vor.u32 v24, v25;
	v25 =	vld.idx.msk [tilespmem:v30+s26+$0x0], $0xffff  }
0x124: {  	vm5 =	vne.s32 v22, $0x4;
	vm3 =	vne.s32 v19, $0x4;
	v34 =	vmul.u32 $0x2710, v19;
	v28 =	vld [tilespmem:s6+$0x20]  }
0x125: {  	v40 =	vmul.u32 $0x2710, v22;
	v19 =	vadd.s32 v33, v29;
	v30 =	vmul.u32 $0x2710, v27;
	v24 =	vld [tilespmem:s6+$0x0]  }
.Ltmp7:
0x126: {  	v33 =	vadd.s32 v36, v34;
	v36 =	vor.u32 v32, v19;
	vm2 =	vne.s32 v44, $0x4;
	v22 =	vld [tilespmem:s6+$0xFFFFFFD0];
	(pc) =	sbr.rel @p1 .LBB2_9-.Ltmp7, $4  }
0x127: {  	v32 =	vadd.s32 v42, v40;
	v39 =	vor.u32 v39, v33;
	v33 =	vmul.u32 $0x2710, v44;
	v19 =	vld [tilespmem:s6+$0x30]  }
0x128: {  	v42 =	vand.u32 $0xFFFFFFF8, v23;
	v41 =	vor.u32 v43, v32;
	v43 =	vand.u32 $0xFFFFFFF8, v31;
	v18 =	vld.idx.msk [tilespmem:v18+s22+$0x0], vm0  }
0x129: {  	v44 =	vadd.s32 v45, v33;
	vm4 =	vne.s32 v25, $0x4;
	v35 =	vmul.u32 $0x2710, v25;
	v32 =	vld.idx.msk [tilespmem:v38+s26+$0x0], $0xffff  }
0x12a: {  	v38 =	vor.u32 v46, v44;
	v44 =	vand.u32 $0xFFF8, v37;
	v37 =	vand.u32 $0xFFFFFFF8, v28;
	v25 =	vld [tilespmem:s6+$0xFFFFFFE0];
	s6 =	sadd.s32 $0x80, s6  }
0x12b: {  	_ = 	snop  }
0x12c: {  	vm6 =	vne.s32 v27, $0x4;
	v17 =	vand.u32 $0x7, v17  }
0x12d: {  	v26 =	vadd.s32 v26, v30;
	v61 =	vadd.s32 v43, v40;
	v31 =	vand.u32 $0x7, v31  }
0x12e: {  	v62 =	vand.u32 $0xFFFFFFF8, v22;
	v45 =	vadd.s32 v44, v35;
	v34 =	vadd.s32 v42, v34  }
0x12f: {  	v46 =	vand.u32 $0xFFFFFFF8, v24;
	v23 =	vand.u32 $0x7, v23;
	v17 =	vor.u32 v17, v26  }
0x130: {  	v63 =	vld.idx.msk [tilespmem:v41+s22+$0x0], vm5;
	v28 =	vand.u32 $0x7, v28;
	v50 =	vand.u32 $0xFFF8, v14;
	v27 =	vor.u32 v31, v61  }
0x131: {  	v47 =	vld.idx.msk [tilespmem:v39+s22+$0x0], vm3;
	v14 =	vand.u32 $0x7, v14;
	v21 =	vor.u32 v21, v45;
	v49 =	vmul.u32 $0x2710, v32  }
0x132: {  	v52 =	vld.idx.msk [tilespmem:v36+s22+$0x0], vm1;
	v54 =	vand.u32 $0x7, v24;
	v23 =	vor.u32 v23, v34;
	v53 =	vadd.s32 v46, v33  }
0x133: {  	v56 =	vld.idx.msk [tilespmem:v38+s22+$0x0], vm2;
	v24 =	vor.u32 v54, v53;
	vm15 =	vne.s32 v32, $0x4;
	v51 =	vadd.s32 v50, v49  }
0x134: {  	v48 =	vadd.s32 v37, v30;
	v16 =	vadd.s32 v16, v35;
	v17 =	vld.idx.msk [tilespmem:v17+s22+$0x0], vm6;
	v14 =	vor.u32 v14, v51  }
0x135: {  	v58 =	vand.u32 $0x7, v22;
	v26 =	vadd.s32 v62, v29;
	v28 =	vor.u32 v28, v48;
	[tilespmem:v27+s1+$0x0] =	vst.idx.add.f32.msk vm5, v63  }
0x136: {  	v15 =	vor.u32 v15, v16;
	v60 =	vand.u32 $0xFFFFFFF8, v19;
	v55 =	vand.u32 $0xFFFFFFF8, v25;
	v57 =	vld.idx.msk [tilespmem:v21+s22+$0x0], vm4  }
0x137: {  	v59 =	vand.u32 $0x7, v25;
	v20 =	vadd.s32 v55, v20;
	[tilespmem:v23+s1+$0x0] =	vst.idx.add.f32.msk vm3, v47;
	v21 =	vor.u32 v58, v26  }
0x138: {  	v62 =	vand.u32 $0x7, v19;
	v61 =	vor.u32 v59, v20;
	v63 =	vadd.s32 v60, v49;
	[tilespmem:v24+s1+$0x0] =	vst.idx.add.f32.msk vm2, v56  }
0x139: {  	v19 =	vor.u32 v62, v63;
	v14 =	vld.idx.msk [tilespmem:v14+s22+$0x0], vm15  }
0x13a: {  	[tilespmem:v28+s1+$0x0] =	vst.idx.add.f32.msk vm6, v17  }
0x13b: {  	[tilespmem:v15+s1+$0x0] =	vst.idx.add.f32.msk vm4, v57  }
0x13c: {  	[tilespmem:v21+s1+$0x0] =	vst.idx.add.f32.msk vm1, v52  }
0x13d: {  	[tilespmem:v61+s1+$0x0] =	vst.idx.add.f32.msk vm0, v18  }
0x13e: {  	s5 =	simm.s32 $0x0;
	[tilespmem:v19+s1+$0x0] =	vst.idx.add.f32.msk vm15, v14  }
.LBB2_11:
0x13f: {  	s6 =	sshra.s32 s5, $0x2  }
0x140: {  	v14 =	vld [tilespmem:s6+$0x19840];
	_ =	sdelay $0x4  }
0x141: {  	v15 =	vshrl.u32 v14, $0x10;
	_ =	sdelay $0x4  }
0x142: {  	v15 =	vld.idx.msk [tilespmem:v15+s26+$0x0], $0xffff;
	_ =	sdelay $0x4  }
0x143: {  	v16 =	vmul.u32 $0x2710, v15  }
0x144: {  	v17 =	vld [tilespmem:s6+$0x1B780];
	v18 =	vand.u32 $0xFFF8, v14  }
0x145: {  	v14 =	vand.u32 $0x7, v14;
	vm0 =	vne.s32 v15, $0x4;
	v15 =	vadd.s32 v18, v16  }
0x146: {  	v14 =	vor.u32 v14, v15;
	_ =	sdelay $0x2  }
0x147: {  	v15 =	vand.u32 $0xFFFFFFF8, v17  }
0x148: {  	v17 =	vand.u32 $0x7, v17;
	v15 =	vadd.s32 v15, v16  }
0x149: {  	p1 =	sne.s32 s5, $0xC0;
	v15 =	vor.u32 v17, v15;
	v14 =	vld.idx.msk [tilespmem:v14+s22+$0x0], vm0  }
.Ltmp8:
0x14a: {  	_ = 	snop;
	(pc) =	sbr.rel @p1 .LBB2_11-.Ltmp8, $2  }
0x14b: {  	_ =	sdelay $0x2  }
0x14c: {  	s5 =	sadd.s32 $0x40, s5;
	[tilespmem:v15+s1+$0x0] =	vst.idx.add.f32.msk vm0, v14  }
.Ltmp9:
0x14d: {  	(pc) =	sbr.rel @!p0 .LBB2_13-.Ltmp9, $1  }
0x14e: {  	_ =	sdelay $0x3  }
0x14f: {  	p0 =	slt.s32 s29, $0x1  }
.Ltmp10:
0x150: {  	_ = 	snop;
	(pc) =	sbr.rel @p0 .LBB2_22-.Ltmp10, $1  }
0x151: {  	_ =	sdelay $0x3  }
.LBB2_15:
0x152: {  	s28 =	simm.s32 $0x0  }
.LBB2_16:
0x153: {  	_ =	swait.ge [sflag:s0], $0x1F40  }
0x154: {  	[sflag:s0] =	ssyncset.done $0x0  }
0x155: {  	[sflag:s0] =	ssyncadd.s32 $0xFFFFE0C0  }
0x156: {  	_ =	swait.ge [sflag:s0], $0x1F40  }
0x157: {  	[sflag:s0] =	ssyncset.done $0x0  }
0x158: {  	s5 =	simm.s32 $0x13AE0;
	[sflag:s0] =	ssyncadd.s32 $0xFFFFE0C0  }
0x159: {  	v14 =	vld [tilespmem:s5+$0x10]  }
0x15a: {  	v16 =	vld [tilespmem:s5+$0xFFFFFFE0]  }
0x15b: {  	v15 =	vld [tilespmem:s5+$0xFFFFFFF0];
	_ =	sdelay $0x1  }
0x15c: {  	v18 =	vld [tilespmem:s5+$0x0]  }
0x15d: {  	s24 =	simm.s32 $0x15A20;
	v17 =	vand.u32 $0xFFFF, v14  }
0x15e: {  	v20 =	vld [tilespmem:s24+$0x10];
	v21 =	vand.u32 $0xFFFF, v16  }
0x15f: {  	v23 =	vld [tilespmem:s24+$0xFFFFFFE0];
	v19 =	vand.u32 $0xFFFF, v15  }
0x160: {  	v27 =	vld [tilespmem:s24+$0xFFFFFFF0];
	v14 =	vshrl.u32 v14, $0x10  }
0x161: {  	v30 =	vld [tilespmem:s24+$0x0];
	v16 =	vshrl.u32 v16, $0x10;
	v26 =	vand.u32 $0xFFFF, v18;
	vm0 =	veq.s32 v14, v10  }
0x162: {  	v15 =	vshrl.u32 v15, $0x10;
	vm1 =	veq.s32 v16, v10;
	v22 =	vld.idx.msk [tilespmem:v17+s22+$0x0], $0xffff  }
0x163: {  	vm2 =	veq.s32 v15, v10;
	v28 =	vld.idx.msk [tilespmem:v21+s22+$0x0], $0xffff  }
0x164: {  	v31 =	vshrl.u32 v18, $0x10;
	v24 =	vld.idx.msk [tilespmem:v19+s22+$0x0], $0xffff  }
0x165: {  	v25 =	vadd.s32 $0x2710, v17;
	vm3 =	veq.s32 v31, v10  }
0x166: {  	v55 =	vld.idx.msk [tilespmem:v26+s22+$0x0], $0xffff  }
0x167: {  	v29 =	vadd.s32 $0x2710, v21;
	[tilespmem:v20+s1+$0x0] =	vst.idx.add.f32.msk vm0, v22  }
0x168: {  	v56 =	vadd.s32 $0x2710, v19;
	[tilespmem:v23+s1+$0x0] =	vst.idx.add.f32.msk vm1, v28  }
0x169: {  	v33 =	vadd.s32 $0x2710, v26;
	vm0 =	veq.s32 v14, v11;
	[tilespmem:v27+s1+$0x0] =	vst.idx.add.f32.msk vm2, v24  }
0x16a: {  	v22 =	vadd.s32 $0x2710, v20;
	v18 =	vld.idx.msk [tilespmem:v25+s22+$0x0], $0xffff  }
0x16b: {  	v32 =	vadd.s32 $0x4E20, v17;
	vm1 =	veq.s32 v16, v11;
	[tilespmem:v30+s1+$0x0] =	vst.idx.add.f32.msk vm3, v55  }
0x16c: {  	v57 =	vadd.s32 $0x2710, v23;
	vm2 =	veq.s32 v15, v11;
	v29 =	vld.idx.msk [tilespmem:v29+s22+$0x0], $0xffff  }
0x16d: {  	v59 =	vadd.s32 $0x2710, v27;
	vm3 =	veq.s32 v31, v11;
	v28 =	vld.idx.msk [tilespmem:v56+s22+$0x0], $0xffff  }
0x16e: {  	v34 =	vadd.s32 $0x2710, v30;
	v33 =	vld.idx.msk [tilespmem:v33+s22+$0x0], $0xffff  }
0x16f: {  	[tilespmem:v22+s1+$0x0] =	vst.idx.add.f32.msk vm0, v18;
	v18 =	vadd.s32 $0x4E20, v21;
	vm0 =	veq.s32 v14, v12  }
0x170: {  	v58 =	vadd.s32 $0x4E20, v20;
	v22 =	vld.idx.msk [tilespmem:v32+s22+$0x0], $0xffff  }
0x171: {  	v17 =	vadd.s32 $0x7530, v17;
	[tilespmem:v57+s1+$0x0] =	vst.idx.add.f32.msk vm1, v29  }
0x172: {  	v35 =	vadd.s32 $0x4E20, v26;
	[tilespmem:v59+s1+$0x0] =	vst.idx.add.f32.msk vm2, v28  }
0x173: {  	v60 =	vadd.s32 $0x4E20, v19;
	vm1 =	veq.s32 v16, v12;
	[tilespmem:v34+s1+$0x0] =	vst.idx.add.f32.msk vm3, v33  }
0x174: {  	v61 =	vadd.s32 $0x4E20, v23;
	v29 =	vld.idx.msk [tilespmem:v18+s22+$0x0], $0xffff  }
0x175: {  	vm5 =	veq.s32 v14, v13;
	v63 =	vadd.s32 $0x7530, v21;
	[tilespmem:v58+s1+$0x0] =	vst.idx.add.f32.msk vm0, v22  }
0x176: {  	v62 =	vadd.s32 $0x7530, v20;
	v36 =	vld.idx.msk [tilespmem:v17+s22+$0x0], $0xffff  }
0x177: {  	vm4 =	veq.s32 v31, v12;
	vm6 =	veq.s32 v31, v13;
	v14 =	vadd.s32 $0x7530, v23;
	v23 =	vld.idx.msk [tilespmem:v35+s22+$0x0], $0xffff  }
0x178: {  	v20 =	vadd.s32 $0x4E20, v27;
	vm3 =	veq.s32 v15, v12;
	vm2 =	veq.s32 v15, v13;
	v22 =	vld.idx.msk [tilespmem:v60+s22+$0x0], $0xffff  }
0x179: {  	v15 =	vadd.s32 $0x7530, v27;
	v21 =	vadd.s32 $0x4E20, v30;
	v18 =	vadd.s32 $0x7530, v19;
	[tilespmem:v61+s1+$0x0] =	vst.idx.add.f32.msk vm1, v29  }
0x17a: {  	vm0 =	veq.s32 v16, v13;
	v16 =	vadd.s32 $0x7530, v30;
	v17 =	vadd.s32 $0x7530, v26;
	v19 =	vld.idx.msk [tilespmem:v63+s22+$0x0], $0xffff  }
0x17b: {  	s6 =	simm.s32 $0x13B20;
	s5 =	simm.s32 $0x0;
	vm0 =	vmmov vm0;
	vm1 =	vmmov vm2;
	vm2 =	vmmov vm6;
	[tilespmem:v62+s1+$0x0] =	vst.idx.add.f32.msk vm5, v36  }
.LBB2_17:
0x17c: {  	v24 =	vld [tilespmem:s6+$0x10];
	s5 =	sadd.s32 $0x4, s5  }
0x17d: {  	v25 =	vld [tilespmem:s6+$0xFFFFFFF0];
	p0 =	slt.u32 s5, $0x1F0  }
0x17e: {  	v26 =	vld [tilespmem:s6+$0x0]  }
0x17f: {  	v27 =	vld [tilespmem:s6+$0xFFFFFFE0]  }
0x180: {  	[tilespmem:v20+s1+$0x0] =	vst.idx.add.f32.msk vm3, v22  }
0x181: {  	v22 =	vand.u32 $0xFFFF, v24;
	[tilespmem:v21+s1+$0x0] =	vst.idx.add.f32.msk vm4, v23  }
0x182: {  	v20 =	vshrl.u32 v25, $0x10;
	v21 =	vand.u32 $0xFFFF, v25;
	v23 =	vld.idx.msk [tilespmem:v18+s22+$0x0], $0xffff  }
0x183: {  	s24 =	sadd.s32 $0x40, s24;
	vm8 =	veq.s32 v20, v10;
	v25 =	vshrl.u32 v26, $0x10;
	v26 =	vand.u32 $0xFFFF, v26;
	v28 =	vld.idx.msk [tilespmem:v17+s22+$0x0], $0xffff  }
0x184: {  	v29 =	vshrl.u32 v27, $0x10;
	v17 =	vand.u32 $0xFFFF, v27;
	vm9 =	veq.s32 v25, v10;
	v27 =	vld [tilespmem:s24+$0x10]  }
0x185: {  	v24 =	vshrl.u32 v24, $0x10;
	v30 =	vld [tilespmem:s24+$0xFFFFFFE0];
	vm12 =	veq.s32 v29, v10;
	v31 =	vadd.s32 $0x2710, v17  }
0x186: {  	vm11 =	veq.s32 v24, v10;
	v32 =	vadd.s32 $0x2710, v21;
	v33 =	vadd.s32 $0x2710, v26;
	v34 =	vld.idx.msk [tilespmem:v22+s22+$0x0], $0xffff  }
0x187: {  	vm7 =	veq.s32 v20, v11;
	vm5 =	veq.s32 v25, v11;
	vm10 =	veq.s32 v29, v11;
	v35 =	vld.idx.msk [tilespmem:v21+s22+$0x0], $0xffff  }
0x188: {  	v39 =	vadd.s32 $0x2710, v22;
	v37 =	vadd.s32 $0x4E20, v21;
	v36 =	vadd.s32 $0x4E20, v17;
	v38 =	vld.idx.msk [tilespmem:v26+s22+$0x0], $0xffff  }
0x189: {  	vm3 =	veq.s32 v20, v12;
	v41 =	vadd.s32 $0x4E20, v26;
	vm6 =	veq.s32 v29, v12;
	v40 =	vld.idx.msk [tilespmem:v17+s22+$0x0], $0xffff  }
0x18a: {  	vm4 =	veq.s32 v25, v12;
	v42 =	vadd.s32 $0x2710, v30;
	v43 =	vadd.s32 $0x4E20, v30;
	v44 =	vld [tilespmem:s24+$0xFFFFFFF0]  }
0x18b: {  	v18 =	vadd.s32 $0x7530, v21;
	v45 =	vadd.s32 $0x7530, v17;
	v17 =	vadd.s32 $0x7530, v26;
	v46 =	vld [tilespmem:s24+$0x0]  }
0x18c: {  	vm14 =	veq.s32 v20, v13;
	vm13 =	veq.s32 v29, v13;
	v21 =	vadd.s32 $0x7530, v30;
	[tilespmem:v27+s1+$0x0] =	vst.idx.add.f32.msk vm11, v34  }
0x18d: {  	vm15 =	veq.s32 v24, v11;
	vm11 =	veq.s32 v25, v13;
	v25 =	vld.idx.msk [tilespmem:v39+s22+$0x0], $0xffff  }
0x18e: {  	v26 =	vadd.s32 $0x2710, v27;
	[tilespmem:v14+s1+$0x0] =	vst.idx.add.f32.msk vm0, v19;
	v14 =	vmov v21;
	vm0 =	vmmov vm13  }
0x18f: {  	v29 =	vadd.s32 $0x4E20, v22;
	[tilespmem:v30+s1+$0x0] =	vst.idx.add.f32.msk vm12, v40;
	v19 =	vadd.s32 $0x2710, v44;
	v20 =	vadd.s32 $0x4E20, v44  }
0x190: {  	v30 =	vld.idx.msk [tilespmem:v31+s22+$0x0], $0xffff;
	v31 =	vadd.s32 $0x7530, v44;
	v34 =	vadd.s32 $0x2710, v46;
	v21 =	vadd.s32 $0x4E20, v46  }
0x191: {  	v39 =	vadd.s32 $0x7530, v46;
	[tilespmem:v15+s1+$0x0] =	vst.idx.add.f32.msk vm1, v23;
	v15 =	vmov v31;
	vm1 =	vmmov vm14  }
0x192: {  	[tilespmem:v44+s1+$0x0] =	vst.idx.add.f32.msk vm8, v35  }
0x193: {  	[tilespmem:v26+s1+$0x0] =	vst.idx.add.f32.msk vm15, v25  }
0x194: {  	vm8 =	veq.s32 v24, v12;
	v23 =	vld.idx.msk [tilespmem:v29+s22+$0x0], $0xffff  }
0x195: {  	v25 =	vadd.s32 $0x4E20, v27;
	[tilespmem:v46+s1+$0x0] =	vst.idx.add.f32.msk vm9, v38  }
0x196: {  	v22 =	vadd.s32 $0x7530, v22;
	v26 =	vld.idx.msk [tilespmem:v32+s22+$0x0], $0xffff  }
0x197: {  	v29 =	vld.idx.msk [tilespmem:v33+s22+$0x0], $0xffff  }
0x198: {  	[tilespmem:v42+s1+$0x0] =	vst.idx.add.f32.msk vm10, v30  }
0x199: {  	v30 =	vld.idx.msk [tilespmem:v36+s22+$0x0], $0xffff  }
0x19a: {  	[tilespmem:v25+s1+$0x0] =	vst.idx.add.f32.msk vm8, v23  }
0x19b: {  	vm8 =	veq.s32 v24, v13;
	v24 =	vld.idx.msk [tilespmem:v22+s22+$0x0], $0xffff  }
0x19c: {  	[tilespmem:v19+s1+$0x0] =	vst.idx.add.f32.msk vm7, v26;
	v19 =	vadd.s32 $0x7530, v27  }
0x19d: {  	[tilespmem:v34+s1+$0x0] =	vst.idx.add.f32.msk vm5, v29  }
0x19e: {  	v22 =	vld.idx.msk [tilespmem:v37+s22+$0x0], $0xffff  }
.Ltmp11:
0x19f: {  	v23 =	vld.idx.msk [tilespmem:v41+s22+$0x0], $0xffff;
	(pc) =	sbr.rel @p0 .LBB2_17-.Ltmp11, $4  }
0x1a0: {  	[tilespmem:v43+s1+$0x0] =	vst.idx.add.f32.msk vm6, v30  }
0x1a1: {  	[tilespmem:v19+s1+$0x0] =	vst.idx.add.f32.msk vm8, v24  }
0x1a2: {  	v19 =	vld.idx.msk [tilespmem:v45+s22+$0x0], $0xffff  }
0x1a3: {  	s6 =	sadd.s32 $0x40, s6;
	[tilespmem:v16+s1+$0x0] =	vst.idx.add.f32.msk vm2, v28;
	v16 =	vmov v39;
	vm2 =	vmmov vm11  }
0x1a4: {  	_ =	sdelay $0x1  }
0x1a5: {  	p0 =	seq.s32 s28, $0x9  }
0x1a6: {  	s5 =	sshll.u32 @!p0 s28, $0x1  }
0x1a7: {  	s5 =	sadd.s32 @!p0 s5, s17  }
0x1a8: {  	[tilespmem:v20+s1+$0x0] =	vst.idx.add.f32.msk vm3, v22;
	s6 =	smulhi.u32 @!p0 $0x66666667, s5  }
0x1a9: {  	[tilespmem:v21+s1+$0x0] =	vst.idx.add.f32.msk vm4, v23  }
0x1aa: {  	v18 =	vld.idx.msk [tilespmem:v18+s22+$0x0], $0xffff;
	s6 =	sshrl.u32 @!p0 s6, $0x3  }
0x1ab: {  	v17 =	vld.idx.msk [tilespmem:v17+s22+$0x0], $0xffff;
	s6 =	smul.u32 @!p0 $0x14, s6;
	_ =	sdelay $0x1  }
0x1ac: {  	s5 =	ssub.s32 @!p0 s5, s6  }
0x1ad: {  	[tilespmem:v14+s1+$0x0] =	vst.idx.add.f32.msk vm0, v19;
	s5 =	smul.u32 @!p0 $0x3E8, s5  }
0x1ae: {  	[tilespmem:v15+s1+$0x0] =	vst.idx.add.f32.msk vm1, v18  }
0x1af: {  	s7 =	simm.s32 @!p0 $0x0;
	s24 =	simm.s32 @!p0 $0x13AC0;
	[tilespmem:v16+s1+$0x0] =	vst.idx.add.f32.msk vm2, v17;
	s6 =	sadd.s32 @!p0 s4, s5  }
0x1b0: {  	[tilespmem:s24], [sflag:$0x1] =	stream.linear.gather @!p0 [hbm4b:s6+s7], $0x1F40, $0x38;
	[tilespmem:$0x1B7C0] =	vst v63  }
0x1b1: {  	s5 =	sadd.s32 @!p0 s2, s5;
	s6 =	simm.s32 @!p0 $0x15A00  }
0x1b2: {  	[tilespmem:s6], [sflag:$0x1] =	stream.linear.gather @!p0 [hbm4b:s5+s7], $0x1F40, $0x38;
	[tilespmem:$0x1B7C0] =	vst v63  }
0x1b3: {  	_ =	swait.ge [sflag:s23], $0x1F40  }
0x1b4: {  	[sflag:s23] =	ssyncset.done $0x0  }
0x1b5: {  	[sflag:s23] =	ssyncadd.s32 $0xFFFFE0C0  }
0x1b6: {  	_ =	swait.ge [sflag:s23], $0x1F40  }
0x1b7: {  	[sflag:s23] =	ssyncset.done $0x0  }
0x1b8: {  	s29 =	simm.s32 $0x17960;
	[sflag:s23] =	ssyncadd.s32 $0xFFFFE0C0  }
0x1b9: {  	v14 =	vld [tilespmem:s29+$0x10]  }
0x1ba: {  	v16 =	vld [tilespmem:s29+$0xFFFFFFE0]  }
0x1bb: {  	v15 =	vld [tilespmem:s29+$0xFFFFFFF0];
	_ =	sdelay $0x1  }
0x1bc: {  	v18 =	vld [tilespmem:s29+$0x0]  }
0x1bd: {  	s24 =	simm.s32 $0x198A0;
	v17 =	vand.u32 $0xFFFF, v14  }
0x1be: {  	v20 =	vld [tilespmem:s24+$0x10];
	v21 =	vand.u32 $0xFFFF, v16  }
0x1bf: {  	v23 =	vld [tilespmem:s24+$0xFFFFFFE0];
	v19 =	vand.u32 $0xFFFF, v15  }
0x1c0: {  	v27 =	vld [tilespmem:s24+$0xFFFFFFF0];
	v14 =	vshrl.u32 v14, $0x10  }
0x1c1: {  	v30 =	vld [tilespmem:s24+$0x0];
	v16 =	vshrl.u32 v16, $0x10;
	v26 =	vand.u32 $0xFFFF, v18;
	vm0 =	veq.s32 v14, v10  }
0x1c2: {  	v15 =	vshrl.u32 v15, $0x10;
	vm1 =	veq.s32 v16, v10;
	v22 =	vld.idx.msk [tilespmem:v17+s22+$0x0], $0xffff  }
0x1c3: {  	vm2 =	veq.s32 v15, v10;
	v28 =	vld.idx.msk [tilespmem:v21+s22+$0x0], $0xffff  }
0x1c4: {  	v31 =	vshrl.u32 v18, $0x10;
	v24 =	vld.idx.msk [tilespmem:v19+s22+$0x0], $0xffff  }
0x1c5: {  	v25 =	vadd.s32 $0x2710, v17;
	vm3 =	veq.s32 v31, v10  }
0x1c6: {  	v55 =	vld.idx.msk [tilespmem:v26+s22+$0x0], $0xffff  }
0x1c7: {  	v29 =	vadd.s32 $0x2710, v21;
	[tilespmem:v20+s1+$0x0] =	vst.idx.add.f32.msk vm0, v22  }
0x1c8: {  	v56 =	vadd.s32 $0x2710, v19;
	[tilespmem:v23+s1+$0x0] =	vst.idx.add.f32.msk vm1, v28  }
0x1c9: {  	v33 =	vadd.s32 $0x2710, v26;
	vm0 =	veq.s32 v14, v11;
	[tilespmem:v27+s1+$0x0] =	vst.idx.add.f32.msk vm2, v24  }
0x1ca: {  	v22 =	vadd.s32 $0x2710, v20;
	v18 =	vld.idx.msk [tilespmem:v25+s22+$0x0], $0xffff  }
0x1cb: {  	v32 =	vadd.s32 $0x4E20, v17;
	vm1 =	veq.s32 v16, v11;
	[tilespmem:v30+s1+$0x0] =	vst.idx.add.f32.msk vm3, v55  }
0x1cc: {  	v57 =	vadd.s32 $0x2710, v23;
	vm2 =	veq.s32 v15, v11;
	v29 =	vld.idx.msk [tilespmem:v29+s22+$0x0], $0xffff  }
0x1cd: {  	v59 =	vadd.s32 $0x2710, v27;
	vm3 =	veq.s32 v31, v11;
	v28 =	vld.idx.msk [tilespmem:v56+s22+$0x0], $0xffff  }
0x1ce: {  	v34 =	vadd.s32 $0x2710, v30;
	v33 =	vld.idx.msk [tilespmem:v33+s22+$0x0], $0xffff  }
0x1cf: {  	[tilespmem:v22+s1+$0x0] =	vst.idx.add.f32.msk vm0, v18;
	v18 =	vadd.s32 $0x4E20, v21;
	vm0 =	veq.s32 v14, v12  }
0x1d0: {  	v58 =	vadd.s32 $0x4E20, v20;
	v22 =	vld.idx.msk [tilespmem:v32+s22+$0x0], $0xffff  }
0x1d1: {  	v17 =	vadd.s32 $0x7530, v17;
	[tilespmem:v57+s1+$0x0] =	vst.idx.add.f32.msk vm1, v29  }
0x1d2: {  	v35 =	vadd.s32 $0x4E20, v26;
	[tilespmem:v59+s1+$0x0] =	vst.idx.add.f32.msk vm2, v28  }
0x1d3: {  	v60 =	vadd.s32 $0x4E20, v19;
	vm1 =	veq.s32 v16, v12;
	[tilespmem:v34+s1+$0x0] =	vst.idx.add.f32.msk vm3, v33  }
0x1d4: {  	v61 =	vadd.s32 $0x4E20, v23;
	v29 =	vld.idx.msk [tilespmem:v18+s22+$0x0], $0xffff  }
0x1d5: {  	vm5 =	veq.s32 v14, v13;
	v63 =	vadd.s32 $0x7530, v21;
	[tilespmem:v58+s1+$0x0] =	vst.idx.add.f32.msk vm0, v22  }
0x1d6: {  	v62 =	vadd.s32 $0x7530, v20;
	v36 =	vld.idx.msk [tilespmem:v17+s22+$0x0], $0xffff  }
0x1d7: {  	vm4 =	veq.s32 v31, v12;
	vm6 =	veq.s32 v31, v13;
	v14 =	vadd.s32 $0x7530, v23;
	v23 =	vld.idx.msk [tilespmem:v35+s22+$0x0], $0xffff  }
0x1d8: {  	v20 =	vadd.s32 $0x4E20, v27;
	vm3 =	veq.s32 v15, v12;
	vm2 =	veq.s32 v15, v13;
	v22 =	vld.idx.msk [tilespmem:v60+s22+$0x0], $0xffff  }
0x1d9: {  	v15 =	vadd.s32 $0x7530, v27;
	v21 =	vadd.s32 $0x4E20, v30;
	v18 =	vadd.s32 $0x7530, v19;
	[tilespmem:v61+s1+$0x0] =	vst.idx.add.f32.msk vm1, v29  }
0x1da: {  	vm0 =	veq.s32 v16, v13;
	v16 =	vadd.s32 $0x7530, v30;
	v17 =	vadd.s32 $0x7530, v26;
	v19 =	vld.idx.msk [tilespmem:v63+s22+$0x0], $0xffff  }
0x1db: {  	s5 =	simm.s32 $0x0;
	s6 =	simm.s32 $0x179A0;
	vm0 =	vmmov vm0;
	vm1 =	vmmov vm2;
	vm2 =	vmmov vm6;
	[tilespmem:v62+s1+$0x0] =	vst.idx.add.f32.msk vm5, v36  }
.LBB2_19:
0x1dc: {  	v24 =	vld [tilespmem:s6+$0x10];
	s5 =	sadd.s32 $0x4, s5  }
0x1dd: {  	v25 =	vld [tilespmem:s6+$0xFFFFFFF0];
	p1 =	slt.u32 s5, $0x1F0  }
0x1de: {  	v26 =	vld [tilespmem:s6+$0x0]  }
0x1df: {  	v27 =	vld [tilespmem:s6+$0xFFFFFFE0]  }
0x1e0: {  	[tilespmem:v20+s1+$0x0] =	vst.idx.add.f32.msk vm3, v22  }
0x1e1: {  	v22 =	vand.u32 $0xFFFF, v24;
	[tilespmem:v21+s1+$0x0] =	vst.idx.add.f32.msk vm4, v23  }
0x1e2: {  	v20 =	vshrl.u32 v25, $0x10;
	v21 =	vand.u32 $0xFFFF, v25;
	v23 =	vld.idx.msk [tilespmem:v18+s22+$0x0], $0xffff  }
0x1e3: {  	s24 =	sadd.s32 $0x40, s24;
	vm8 =	veq.s32 v20, v10;
	v25 =	vshrl.u32 v26, $0x10;
	v26 =	vand.u32 $0xFFFF, v26;
	v28 =	vld.idx.msk [tilespmem:v17+s22+$0x0], $0xffff  }
0x1e4: {  	v29 =	vshrl.u32 v27, $0x10;
	v17 =	vand.u32 $0xFFFF, v27;
	vm9 =	veq.s32 v25, v10;
	v27 =	vld [tilespmem:s24+$0x10]  }
0x1e5: {  	v24 =	vshrl.u32 v24, $0x10;
	v30 =	vld [tilespmem:s24+$0xFFFFFFE0];
	vm12 =	veq.s32 v29, v10;
	v31 =	vadd.s32 $0x2710, v17  }
0x1e6: {  	vm11 =	veq.s32 v24, v10;
	v32 =	vadd.s32 $0x2710, v21;
	v33 =	vadd.s32 $0x2710, v26;
	v34 =	vld.idx.msk [tilespmem:v22+s22+$0x0], $0xffff  }
0x1e7: {  	vm7 =	veq.s32 v20, v11;
	vm5 =	veq.s32 v25, v11;
	vm10 =	veq.s32 v29, v11;
	v35 =	vld.idx.msk [tilespmem:v21+s22+$0x0], $0xffff  }
0x1e8: {  	v39 =	vadd.s32 $0x2710, v22;
	v37 =	vadd.s32 $0x4E20, v21;
	v36 =	vadd.s32 $0x4E20, v17;
	v38 =	vld.idx.msk [tilespmem:v26+s22+$0x0], $0xffff  }
0x1e9: {  	vm3 =	veq.s32 v20, v12;
	v41 =	vadd.s32 $0x4E20, v26;
	vm6 =	veq.s32 v29, v12;
	v40 =	vld.idx.msk [tilespmem:v17+s22+$0x0], $0xffff  }
0x1ea: {  	vm4 =	veq.s32 v25, v12;
	v42 =	vadd.s32 $0x2710, v30;
	v43 =	vadd.s32 $0x4E20, v30;
	v44 =	vld [tilespmem:s24+$0xFFFFFFF0]  }
0x1eb: {  	v18 =	vadd.s32 $0x7530, v21;
	v45 =	vadd.s32 $0x7530, v17;
	v17 =	vadd.s32 $0x7530, v26;
	v46 =	vld [tilespmem:s24+$0x0]  }
0x1ec: {  	vm14 =	veq.s32 v20, v13;
	vm13 =	veq.s32 v29, v13;
	v21 =	vadd.s32 $0x7530, v30;
	[tilespmem:v27+s1+$0x0] =	vst.idx.add.f32.msk vm11, v34  }
0x1ed: {  	vm15 =	veq.s32 v24, v11;
	vm11 =	veq.s32 v25, v13;
	v25 =	vld.idx.msk [tilespmem:v39+s22+$0x0], $0xffff  }
0x1ee: {  	v26 =	vadd.s32 $0x2710, v27;
	[tilespmem:v14+s1+$0x0] =	vst.idx.add.f32.msk vm0, v19;
	v14 =	vmov v21;
	vm0 =	vmmov vm13  }
0x1ef: {  	v29 =	vadd.s32 $0x4E20, v22;
	[tilespmem:v30+s1+$0x0] =	vst.idx.add.f32.msk vm12, v40;
	v19 =	vadd.s32 $0x2710, v44;
	v20 =	vadd.s32 $0x4E20, v44  }
0x1f0: {  	v30 =	vld.idx.msk [tilespmem:v31+s22+$0x0], $0xffff;
	v31 =	vadd.s32 $0x7530, v44;
	v34 =	vadd.s32 $0x2710, v46;
	v21 =	vadd.s32 $0x4E20, v46  }
0x1f1: {  	v39 =	vadd.s32 $0x7530, v46;
	[tilespmem:v15+s1+$0x0] =	vst.idx.add.f32.msk vm1, v23;
	v15 =	vmov v31;
	vm1 =	vmmov vm14  }
0x1f2: {  	[tilespmem:v44+s1+$0x0] =	vst.idx.add.f32.msk vm8, v35  }
0x1f3: {  	[tilespmem:v26+s1+$0x0] =	vst.idx.add.f32.msk vm15, v25  }
0x1f4: {  	vm8 =	veq.s32 v24, v12;
	v23 =	vld.idx.msk [tilespmem:v29+s22+$0x0], $0xffff  }
0x1f5: {  	v25 =	vadd.s32 $0x4E20, v27;
	[tilespmem:v46+s1+$0x0] =	vst.idx.add.f32.msk vm9, v38  }
0x1f6: {  	v22 =	vadd.s32 $0x7530, v22;
	v26 =	vld.idx.msk [tilespmem:v32+s22+$0x0], $0xffff  }
0x1f7: {  	v29 =	vld.idx.msk [tilespmem:v33+s22+$0x0], $0xffff  }
0x1f8: {  	[tilespmem:v42+s1+$0x0] =	vst.idx.add.f32.msk vm10, v30  }
0x1f9: {  	v30 =	vld.idx.msk [tilespmem:v36+s22+$0x0], $0xffff  }
0x1fa: {  	[tilespmem:v25+s1+$0x0] =	vst.idx.add.f32.msk vm8, v23  }
0x1fb: {  	vm8 =	veq.s32 v24, v13;
	v24 =	vld.idx.msk [tilespmem:v22+s22+$0x0], $0xffff  }
0x1fc: {  	[tilespmem:v19+s1+$0x0] =	vst.idx.add.f32.msk vm7, v26;
	v19 =	vadd.s32 $0x7530, v27  }
0x1fd: {  	[tilespmem:v34+s1+$0x0] =	vst.idx.add.f32.msk vm5, v29  }
0x1fe: {  	v22 =	vld.idx.msk [tilespmem:v37+s22+$0x0], $0xffff  }
.Ltmp12:
0x1ff: {  	v23 =	vld.idx.msk [tilespmem:v41+s22+$0x0], $0xffff;
	(pc) =	sbr.rel @p1 .LBB2_19-.Ltmp12, $4  }
0x200: {  	[tilespmem:v43+s1+$0x0] =	vst.idx.add.f32.msk vm6, v30  }
0x201: {  	[tilespmem:v19+s1+$0x0] =	vst.idx.add.f32.msk vm8, v24  }
0x202: {  	v19 =	vld.idx.msk [tilespmem:v45+s22+$0x0], $0xffff  }
0x203: {  	s6 =	sadd.s32 $0x40, s6;
	[tilespmem:v16+s1+$0x0] =	vst.idx.add.f32.msk vm2, v28;
	v16 =	vmov v39;
	vm2 =	vmmov vm11  }
0x204: {  	_ =	sdelay $0x4  }
0x205: {  	[tilespmem:v20+s1+$0x0] =	vst.idx.add.f32.msk vm3, v22  }
0x206: {  	[tilespmem:v21+s1+$0x0] =	vst.idx.add.f32.msk vm4, v23  }
0x207: {  	v18 =	vld.idx.msk [tilespmem:v18+s22+$0x0], $0xffff  }
0x208: {  	v17 =	vld.idx.msk [tilespmem:v17+s22+$0x0], $0xffff  }
.Ltmp13:
0x209: {  	_ = 	snop;
	(pc) =	sbr.rel @p0 .LBB2_22-.Ltmp13, $4  }
0x20a: {  	_ = 	snop  }
0x20b: {  	[tilespmem:v14+s1+$0x0] =	vst.idx.add.f32.msk vm0, v19  }
0x20c: {  	[tilespmem:v15+s1+$0x0] =	vst.idx.add.f32.msk vm1, v18  }
0x20d: {  	[tilespmem:v16+s1+$0x0] =	vst.idx.add.f32.msk vm2, v17  }
0x20e: {  	s5 =	sshll.u32 s28, $0x1  }
0x20f: {  	s5 =	sadd.s32 s5, s18  }
0x210: {  	s6 =	smulhi.u32 $0x66666667, s5;
	_ =	sdelay $0x1  }
0x211: {  	s6 =	sshrl.u32 s6, $0x3  }
0x212: {  	s6 =	smul.u32 $0x14, s6;
	_ =	sdelay $0x1  }
0x213: {  	s5 =	ssub.s32 s5, s6  }
0x214: {  	s5 =	smul.u32 $0x3E8, s5  }
.Ltmp14:
0x215: {  	_ = 	snop;
	(pc) =	sbr.rel .LBB2_16-.Ltmp14, $4  }
0x216: {  	s29 =	sadd.s32 s4, s5  }
0x217: {  	[tilespmem:s30], [sflag:$0x2] =	stream.linear.gather [hbm4b:s29+s3], $0x1F40, $0x38;
	[tilespmem:$0x1B7C0] =	vst v63  }
0x218: {  	s28 =	sadd.s32 $0x1, s28;
	s5 =	sadd.s32 s2, s5  }
0x219: {  	[tilespmem:s31], [sflag:$0x2] =	stream.linear.gather [hbm4b:s5+s3], $0x1F40, $0x38;
	[tilespmem:$0x1B7C0] =	vst v63  }
.LBB2_23:
0x21a: {  	_ =	sfence.sel $0x180000  }
0x21b: {  	[bflag:$0x0] =	sbarrier.arrive $0xFFFF  }
0x21c: {  	_ =	strace $0x90000047  }
0x21d: {  	s0 =	stileid.u32;
	[bflag:$0x2] =	sbarrier.arrive $0xFFFF  }
0x21e: {  	p0 =	sne.s32 s0, $0x0;
	s0 =	rddreg [dreg:$0x3]  }
0x21f: {  	s0 =	sadd.s32 @!p0 $0x100000, s0  }
0x220: {  	[sflag:s0] =	ssyncadd.tile.s32 @!p0 $0x1;
	_ =	shalt  }
.Lfunc_end2:
_tile_overlayer_lowered:
.L_overlay_start_2:
0x221: {  	(tag) =	ssettag $0x2  }
0x222: {  	s0 =	rddreg [dreg:$0x0];
	s2 =	stileid.u32  }
0x223: {  	s1 =	rddreg [dreg:$0x1];
	p0 =	sne.s32 s2, $0x0  }
0x224: {  	s3 =	rddreg [dreg:$0x2];
	[bflag:$0x3] =	sbarrier.arrive $0xFFFF;
	s2 =	simm.s32 @!p0 $0x1C03  }
0x225: {  	[timem:s3], [sflag:s2] =	dma.local @!p0 [hbm:s0], s1  }
0x226: {  	s0 =	simm.s32 @!p0 $0x3  }
0x227: {  	_ =	swait.ge @!p0 [sflag:s0], s1  }
0x228: {  	s1 =	ssub.s32 @!p0 $0x0, s1;
	[sflag:s0] =	ssyncset.done @!p0 $0x0  }
0x229: {  	[sflag:s0] =	ssyncadd.s32 @!p0 s1  }
0x22a: {  	[bflag:$0x3] =	sbarrier.arrive $0xFFFF  }
0x22b: {  	_ =	shalt  }

</sc_bundles>
